<compile_context>
chip_gen: v7x
topology: tpu7x:2x2x1
jax: 0.10.2.dev20260603
libtpu: 0.0.44.dev20260713+nightly
codegen_flags: <defaults>
</compile_context>

<pallas_src>
import functools

import jax
import jax.numpy as jnp
from jax import lax
from jax.experimental import pallas as pl
from jax.experimental.pallas import tpu as pltpu
from jax.experimental.pallas import tpu_sc as plsc

_NC = 2
_NS = 16
_L = 16
_CH = 128
_BLK = 512


def _deg_kernel(n_pad, gpt):
    nw = _NC * _NS
    mesh = plsc.VectorSubcoreMesh(core_axis_name="c", subcore_axis_name="s")

    @functools.partial(
        pl.kernel,
        out_type=jax.ShapeDtypeStruct((nw, n_pad), jnp.float32),
        mesh=mesh,
        scratch_types=[
            pltpu.VMEM((gpt, _L), jnp.int32),
            pltpu.VMEM((n_pad,), jnp.float32),
        ],
        compiler_params=pltpu.CompilerParams(needs_layout_passes=False),
    )
    def body(dst_hbm, part_hbm, idx_v, hist_v):
        c = lax.axis_index("c")
        s = lax.axis_index("s")
        wid = s * _NC + c
        pltpu.sync_copy(dst_hbm.at[wid], idx_v)
        zeros = jnp.zeros((_L,), jnp.float32)

        def zero_body(i, carry):
            hist_v[pl.ds(i * _L, _L)] = zeros
            return carry

        lax.fori_loop(0, n_pad // _L, zero_body, 0)
        ones = jnp.ones((_L,), jnp.float32)

        def acc_body(i, carry):
            idx = idx_v[i, :]
            plsc.addupdate_scatter(hist_v, [idx], ones)
            return carry

        lax.fori_loop(0, gpt, acc_body, 0)
        pltpu.sync_copy(hist_v, part_hbm.at[wid])

    return body


def _scatter_kernel(n_pad, cpt, half):
    rpt = n_pad // _NS
    zb = rpt // _CH
    mesh = plsc.VectorSubcoreMesh(core_axis_name="c", subcore_axis_name="s")

    @functools.partial(
        pl.kernel,
        out_type=jax.ShapeDtypeStruct((_NC, n_pad, half), jnp.float32),
        mesh=mesh,
        scratch_types=[
            pltpu.VMEM((cpt, _CH), jnp.int32),
            pltpu.VMEM((8, _CH), jnp.int32),
            pltpu.VMEM((_CH, half), jnp.float32),
            pltpu.VMEM((_CH, half), jnp.float32),
            pltpu.VMEM_SHARED((n_pad, half), jnp.float32),
            pltpu.SemaphoreType.DMA,
            pltpu.SemaphoreType.DMA,
            pltpu.SemaphoreType.DMA,
            pltpu.SemaphoreType.DMA,
        ],
        compiler_params=pltpu.CompilerParams(needs_layout_passes=False),
    )
    def body(g_hbm, src_hbm, dst_hbm, out_hbm, didx, sidx_blk,
             buf_a, buf_b, acc, sem_a, sem_b, sem_sa, sem_sb):
        c = lax.axis_index("c")
        s = lax.axis_index("s")
        zeros = jnp.zeros((_L,), jnp.float32)

        def zrow(i, carry):
            for k in range(half // _L):
                buf_a[i, pl.ds(k * _L, _L)] = zeros
            return carry

        lax.fori_loop(0, _CH, zrow, 0)
        for t in range(zb):
            pltpu.sync_copy(buf_a, acc.at[pl.ds(s * rpt + t * _CH, _CH)])
        pltpu.sync_copy(dst_hbm.at[s], didx)
        plsc.subcore_barrier()

        def blk(bi, carry):
            pltpu.sync_copy(src_hbm.at[s, pl.ds(bi * 8, 8)], sidx_blk)

            def group(hi, carry2):
                j0 = bi * 8 + hi * 2
                da = pltpu.async_copy(
                    g_hbm.at[c].at[sidx_blk.at[hi * 2]], buf_a, sem_a)
                db = pltpu.async_copy(
                    g_hbm.at[c].at[sidx_blk.at[hi * 2 + 1]], buf_b, sem_b)
                da.wait()
                pltpu.sync_copy(buf_a, acc.at[didx.at[j0]], add=True)
                db.wait()
                pltpu.sync_copy(buf_b, acc.at[didx.at[j0 + 1]], add=True)
                return carry2

            lax.fori_loop(0, 4, group, 0)
            return carry

        lax.fori_loop(0, cpt // 8, blk, 0)
        plsc.subcore_barrier()
        pltpu.sync_copy(acc.at[pl.ds(s * rpt, rpt)],
                        out_hbm.at[c, pl.ds(s * rpt, rpt)])

    return body


def _g_tc(x_pad, w, partials, n_pad, d):
    half = d // 2
    nb = n_pad // _BLK
    nw = _NC * _NS

    def body(x_ref, w_ref, p_ref, o_ref):
        deg = jnp.sum(p_ref[...], axis=0) + 1.0
        dinv = lax.rsqrt(deg)
        h = jnp.dot(x_ref[...], w_ref[...], preferred_element_type=jnp.float32)
        o_ref[0] = h * dinv[:, None]

    return pl.pallas_call(
        body,
        grid=(nb, _NC),
        in_specs=[
            pl.BlockSpec((_BLK, d), lambda i, c: (i, 0)),
            pl.BlockSpec((d, half), lambda i, c: (0, c)),
            pl.BlockSpec((nw, _BLK), lambda i, c: (0, i)),
        ],
        out_specs=pl.BlockSpec((1, _BLK, half), lambda i, c: (c, i, 0)),
        out_shape=jax.ShapeDtypeStruct((_NC, n_pad, half), jnp.float32),
    )(x_pad, w, partials)


def _combine_tc(sacc, g, partials, b2, n, d, n_pad):
    half = d // 2
    nb = n_pad // _BLK
    nw = _NC * _NS

    def body(s_ref, g_ref, p_ref, b_ref, o_ref):
        deg = jnp.sum(p_ref[...], axis=0) + 1.0
        dinv = lax.rsqrt(deg)
        o_ref[...] = (s_ref[0] + g_ref[0]) * dinv[:, None] + b_ref[0, 0]

    return pl.pallas_call(
        body,
        grid=(nb, _NC),
        in_specs=[
            pl.BlockSpec((1, _BLK, half), lambda i, c: (c, i, 0)),
            pl.BlockSpec((1, _BLK, half), lambda i, c: (c, i, 0)),
            pl.BlockSpec((nw, _BLK), lambda i, c: (0, i)),
            pl.BlockSpec((1, 1, half), lambda i, c: (c, 0, 0)),
        ],
        out_specs=pl.BlockSpec((_BLK, half), lambda i, c: (i, c)),
        out_shape=jax.ShapeDtypeStruct((n, d), jnp.float32),
    )(sacc, g, partials, b2)


def kernel(x, edge_index, W, b):
    n, d = x.shape
    e = edge_index.shape[1]
    half = d // 2
    nw = _NC * _NS
    n_align = _NS * _CH
    e_align = _NS * _CH * 8
    n_pad = -(-(n + 1) // n_align) * n_align
    e_pad = -(-e // e_align) * e_align
    cpt = e_pad // (_NS * _CH)
    gpt = e_pad // (nw * _L)

    src = edge_index[0]
    dst = edge_index[1]
    pad_ids = jnp.arange(e_pad - e, dtype=jnp.int32)
    src_p = jnp.concatenate([src, n + pad_ids % (n_pad - n)])
    dst_p = jnp.concatenate([dst, n + 1 + pad_ids % (n_pad - n - 1)])

    partials = _deg_kernel(n_pad, gpt)(dst_p.reshape(nw, gpt, _L))
    g = _g_tc(x, W, partials, n_pad, d)

    src3 = src_p.reshape(_NS, cpt, _CH)
    dst3 = dst_p.reshape(_NS, cpt, _CH)
    sacc = _scatter_kernel(n_pad, cpt, half)(g, src3, dst3)

    return _combine_tc(sacc, g, partials, b.reshape(_NC, 1, half), n, d, n_pad)

# --- scband reference (transcript-rebuilt; emitter-appended) ---
"""Pipeline reference for scband-gnn-22960895164852 (READ-ONLY COPY).

The authoritative reference and input builder live on the scoring server;
editing this copy changes nothing except your own understanding.
"""

import jax, jax.numpy as jnp
import numpy as np

N = 10000
E = 160000
D = 256

def setup_inputs(seed: int = 0) -> dict:
    key = jax.random.key(seed)
    k1, k2, k3, k4 = jax.random.split(key, 4)
    x = jax.random.normal(k1, (N, D), dtype=jnp.float32)
    edge_index = jax.random.randint(k2, (2, E), 0, N, dtype=jnp.int32)
    W = jax.random.normal(k3, (D, D), dtype=jnp.float32) * (1.0 / np.sqrt(D))
    b = jnp.zeros((D,), dtype=jnp.float32)
    return {"x": x, "edge_index": edge_index, "W": W, "b": b}

def reference(x, edge_index, W, b):
    # GCNConv with self-loops and symmetric normalization:
    # out = D^{-1/2} (A + I) D^{-1/2} (x W) + b
    src = edge_index[0]
    dst = edge_index[1]
    loop = jnp.arange(N, dtype=src.dtype)
    src = jnp.concatenate([src, loop], axis=0)
    dst = jnp.concatenate([dst, loop], axis=0)
    deg = jnp.zeros((N,), dtype=x.dtype).at[dst].add(1.0)
    dinv = jax.lax.rsqrt(jnp.maximum(deg, 1.0))
    norm = dinv[src] * dinv[dst]
    h = x @ W
    msgs = jnp.take(h, src, axis=0) * norm[:, None]
    out = jnp.zeros((N, D), dtype=x.dtype).at[dst].add(msgs) + b
    return out

if __name__ == "__main__":
    import jax
    _d = setup_inputs()
    print(jax.jit(kernel)(*tuple(_d.values())))

</pallas_src>

<mosaic_0001>
#map = affine_map<(d0, d1) -> (0, 0, 0)>
#map1 = affine_map<(d0, d1) -> (0, 0)>
module attributes {stable_mosaic.version = 14 : i64} {
  func.func @body(%arg0: i32, %arg1: i32, %arg2: memref<32x320x16xi32, #tpu.memory_space<hbm>>, %arg3: memref<32x10240xf32, #tpu.memory_space<hbm>>, %arg4: memref<320x16xi32, #tpu.memory_space<vmem>>, %arg5: memref<10240xf32, #tpu.memory_space<vmem>>) attributes {dimension_semantics = [#tpu.dimension_semantics<core_parallel>, #tpu.dimension_semantics<subcore_parallel>], iteration_bounds = array<i64: 2, 16>, scalar_prefetch = 0 : i64, scratch_operands = 2 : i64, tpu.core_type = #tpu.core_type<sc_vector_subcore>, window_params = [{transform_indices = #map}, {transform_indices = #map1}]} {
    %mul3A = arith.constant 2 : i32
    %mul3A_0 = arith.muli %arg1, %mul3A : i32
    %add3A = arith.addi %mul3A_0, %arg0 : i32
    "tpu.region"() ({
      %run_scoped3A = tpu.sem_alloc : memref<!tpu.dma_semaphore, #tpu.memory_space<semaphore_mem>>
      %dma_start3A = arith.constant 0 : i32
      %dma_start3A_15 = arith.constant 0 : i32
      %dma_start3A_16 = tpu.memref_slice %arg2[%add3A, %dma_start3A, %dma_start3A_15] : memref<32x320x16xi32, #tpu.memory_space<hbm>> -> memref<1x320x16xi32, #tpu.memory_space<hbm>>
      %dma_start3A_17 = tpu.memref_squeeze %dma_start3A_16 : memref<1x320x16xi32, #tpu.memory_space<hbm>> -> memref<320x16xi32, #tpu.memory_space<hbm>>
      %dma_start3A_18 = arith.constant 0 : i32
      %dma_start3A_19 = arith.constant 0 : i32
      %dma_start3A_20 = tpu.memref_slice %arg2[%add3A, %dma_start3A_18, %dma_start3A_19] : memref<32x320x16xi32, #tpu.memory_space<hbm>> -> memref<1x320x16xi32, #tpu.memory_space<hbm>>
      %dma_start3A_21 = tpu.memref_squeeze %dma_start3A_20 : memref<1x320x16xi32, #tpu.memory_space<hbm>> -> memref<320x16xi32, #tpu.memory_space<hbm>>
      tpu.enqueue_dma source(%dma_start3A_21 : memref<320x16xi32, #tpu.memory_space<hbm>>) target(%arg4 : memref<320x16xi32, #tpu.memory_space<vmem>>) target_semaphore(%run_scoped3A : memref<!tpu.dma_semaphore, #tpu.memory_space<semaphore_mem>>)
      %dma_wait3A = arith.constant 0 : i32
      %dma_wait3A_22 = arith.constant 0 : i32
      %dma_wait3A_23 = tpu.memref_slice %arg2[%add3A, %dma_wait3A, %dma_wait3A_22] : memref<32x320x16xi32, #tpu.memory_space<hbm>> -> memref<1x320x16xi32, #tpu.memory_space<hbm>>
      %dma_wait3A_24 = tpu.memref_squeeze %dma_wait3A_23 : memref<1x320x16xi32, #tpu.memory_space<hbm>> -> memref<320x16xi32, #tpu.memory_space<hbm>>
      %dma_wait3A_25 = arith.constant 0 : i32
      %dma_wait3A_26 = arith.constant 0 : i32
      %dma_wait3A_27 = tpu.memref_slice %arg2[%add3A, %dma_wait3A_25, %dma_wait3A_26] : memref<32x320x16xi32, #tpu.memory_space<hbm>> -> memref<1x320x16xi32, #tpu.memory_space<hbm>>
      %dma_wait3A_28 = tpu.memref_squeeze %dma_wait3A_27 : memref<1x320x16xi32, #tpu.memory_space<hbm>> -> memref<320x16xi32, #tpu.memory_space<hbm>>
      tpu.wait_dma2 semaphore(%run_scoped3A : memref<!tpu.dma_semaphore, #tpu.memory_space<semaphore_mem>>) src(%dma_wait3A_28 : memref<320x16xi32, #tpu.memory_space<hbm>>) dst(%arg4 : memref<320x16xi32, #tpu.memory_space<vmem>>)
      tpu.yield
    }) : () -> ()
    %broadcast_in_dim3A = arith.constant 0.000000e+00 : f32
    %broadcast_in_dim3A_1 = vector.broadcast %broadcast_in_dim3A : f32 to vector<16xf32>
    %scan3A = arith.constant 0 : i32
    %scan3A_2 = arith.constant 0 : i32
    %scan3A_3 = arith.constant 640 : i32
    %scan3A_4 = arith.addi %scan3A_2, %scan3A_3 : i32
    %scan3A_5 = arith.constant 1 : i32
    scf.for %scan3A_15 = %scan3A_2 to %scan3A_4 step %scan3A_5  : i32 {
      %mul3A_16 = arith.constant 16 : i32
      %mul3A_17 = arith.muli %scan3A_15, %mul3A_16 : i32
      %swap3A = arith.index_cast %mul3A_17 : i32 to index
      %swap3A_18 = tpu.vector_load %arg5[%swap3A] {strides = array<i32>} : memref<10240xf32, #tpu.memory_space<vmem>>, vector<16xf32>,
      tpu.vector_store %arg5[%swap3A], %broadcast_in_dim3A_1 {strides = array<i32>} : memref<10240xf32, #tpu.memory_space<vmem>>, vector<16xf32>,
    }
    %scan3A_6 = arith.constant 640 : i32
    %broadcast_in_dim3A_7 = arith.constant 1.000000e+00 : f32
    %broadcast_in_dim3A_8 = vector.broadcast %broadcast_in_dim3A_7 : f32 to vector<16xf32>
    %scan3A_9 = arith.constant 0 : i32
    %scan3A_10 = arith.constant 0 : i32
    %scan3A_11 = arith.constant 320 : i32
    %scan3A_12 = arith.addi %scan3A_10, %scan3A_11 : i32
    %scan3A_13 = arith.constant 1 : i32
    scf.for %scan3A_15 = %scan3A_10 to %scan3A_12 step %scan3A_13  : i32 {
      %get3A = arith.index_cast %scan3A_15 : i32 to index
      %get3A_16 = arith.constant 0 : index
      %get3A_17 = tpu.vector_load %arg4[%get3A, %get3A_16] {strides = array<i32>} : memref<320x16xi32, #tpu.memory_space<vmem>>, vector<16xi32>,
      tpu.vector_store_idx %arg5[%get3A_17], %broadcast_in_dim3A_8 {add = true} : memref<10240xf32, #tpu.memory_space<vmem>>[vector<16xi32>], vector<16xf32>,
    }
    %scan3A_14 = arith.constant 320 : i32
    "tpu.region"() ({
      %run_scoped3A = tpu.sem_alloc : memref<!tpu.dma_semaphore, #tpu.memory_space<semaphore_mem>>
      %dma_start3A = arith.constant 0 : i32
      %dma_start3A_15 = tpu.memref_slice %arg3[%add3A, %dma_start3A] : memref<32x10240xf32, #tpu.memory_space<hbm>> -> memref<1x10240xf32, #tpu.memory_space<hbm>>
      %dma_start3A_16 = tpu.memref_squeeze %dma_start3A_15 : memref<1x10240xf32, #tpu.memory_space<hbm>> -> memref<10240xf32, #tpu.memory_space<hbm>>
      %dma_start3A_17 = arith.constant 0 : i32
      %dma_start3A_18 = tpu.memref_slice %arg3[%add3A, %dma_start3A_17] : memref<32x10240xf32, #tpu.memory_space<hbm>> -> memref<1x10240xf32, #tpu.memory_space<hbm>>
      %dma_start3A_19 = tpu.memref_squeeze %dma_start3A_18 : memref<1x10240xf32, #tpu.memory_space<hbm>> -> memref<10240xf32, #tpu.memory_space<hbm>>
      tpu.enqueue_dma source(%arg5 : memref<10240xf32, #tpu.memory_space<vmem>>) target(%dma_start3A_19 : memref<10240xf32, #tpu.memory_space<hbm>>) target_semaphore(%run_scoped3A : memref<!tpu.dma_semaphore, #tpu.memory_space<semaphore_mem>>)
      %dma_wait3A = arith.constant 0 : i32
      %dma_wait3A_20 = tpu.memref_slice %arg3[%add3A, %dma_wait3A] : memref<32x10240xf32, #tpu.memory_space<hbm>> -> memref<1x10240xf32, #tpu.memory_space<hbm>>
      %dma_wait3A_21 = tpu.memref_squeeze %dma_wait3A_20 : memref<1x10240xf32, #tpu.memory_space<hbm>> -> memref<10240xf32, #tpu.memory_space<hbm>>
      %dma_wait3A_22 = arith.constant 0 : i32
      %dma_wait3A_23 = tpu.memref_slice %arg3[%add3A, %dma_wait3A_22] : memref<32x10240xf32, #tpu.memory_space<hbm>> -> memref<1x10240xf32, #tpu.memory_space<hbm>>
      %dma_wait3A_24 = tpu.memref_squeeze %dma_wait3A_23 : memref<1x10240xf32, #tpu.memory_space<hbm>> -> memref<10240xf32, #tpu.memory_space<hbm>>
      tpu.wait_dma2 semaphore(%run_scoped3A : memref<!tpu.dma_semaphore, #tpu.memory_space<semaphore_mem>>) src(%arg5 : memref<10240xf32, #tpu.memory_space<vmem>>) dst(%dma_wait3A_24 : memref<10240xf32, #tpu.memory_space<hbm>>)
      tpu.yield
    }) : () -> ()
    return
  }
}

#map = affine_map<(d0, d1) -> (0, 0, 0)>
module attributes {stable_mosaic.version = 14 : i64} {
  func.func @body(%arg0: i32, %arg1: i32, %arg2: memref<2x10240x128xf32, #tpu.memory_space<hbm>>, %arg3: memref<16x80x128xi32, #tpu.memory_space<hbm>>, %arg4: memref<16x80x128xi32, #tpu.memory_space<hbm>>, %arg5: memref<2x10240x128xf32, #tpu.memory_space<hbm>>, %arg6: memref<80x128xi32, #tpu.memory_space<vmem>>, %arg7: memref<8x128xi32, #tpu.memory_space<vmem>>, %arg8: memref<128x128xf32, #tpu.memory_space<vmem>>, %arg9: memref<128x128xf32, #tpu.memory_space<vmem>>, %arg10: memref<10240x128xf32, #tpu.memory_space<vmem_shared>>, %arg11: memref<!tpu.dma_semaphore, #tpu.memory_space<semaphore_mem>>, %arg12: memref<!tpu.dma_semaphore, #tpu.memory_space<semaphore_mem>>, %arg13: memref<!tpu.dma_semaphore, #tpu.memory_space<semaphore_mem>>, %arg14: memref<!tpu.dma_semaphore, #tpu.memory_space<semaphore_mem>>) attributes {dimension_semantics = [#tpu.dimension_semantics<core_parallel>, #tpu.dimension_semantics<subcore_parallel>], iteration_bounds = array<i64: 2, 16>, scalar_prefetch = 0 : i64, scratch_operands = 9 : i64, tpu.core_type = #tpu.core_type<sc_vector_subcore>, window_params = [{transform_indices = #map}, {transform_indices = #map}, {transform_indices = #map}, {transform_indices = #map}]} {
    %broadcast_in_dim3A = arith.constant 0.000000e+00 : f32
    %broadcast_in_dim3A_0 = vector.broadcast %broadcast_in_dim3A : f32 to vector<16xf32>
    %scan3A = arith.constant 0 : i32
    %scan3A_1 = arith.constant 0 : i32
    %scan3A_2 = arith.constant 128 : i32
    %scan3A_3 = arith.addi %scan3A_1, %scan3A_2 : i32
    %scan3A_4 = arith.constant 1 : i32
    scf.for %scan3A_35 = %scan3A_1 to %scan3A_3 step %scan3A_4  : i32 {
      %swap3A = arith.index_cast %scan3A_35 : i32 to index
      %swap3A_36 = arith.constant 0 : index
      %swap3A_37 = tpu.vector_load %arg8[%swap3A, %swap3A_36] {strides = array<i32>} : memref<128x128xf32, #tpu.memory_space<vmem>>, vector<16xf32>,
      tpu.vector_store %arg8[%swap3A, %swap3A_36], %broadcast_in_dim3A_0 {strides = array<i32>} : memref<128x128xf32, #tpu.memory_space<vmem>>, vector<16xf32>,
      %swap3A_38 = arith.index_cast %scan3A_35 : i32 to index
      %swap3A_39 = arith.constant 16 : index
      %swap3A_40 = tpu.vector_load %arg8[%swap3A_38, %swap3A_39] {strides = array<i32>} : memref<128x128xf32, #tpu.memory_space<vmem>>, vector<16xf32>,
      tpu.vector_store %arg8[%swap3A_38, %swap3A_39], %broadcast_in_dim3A_0 {strides = array<i32>} : memref<128x128xf32, #tpu.memory_space<vmem>>, vector<16xf32>,
      %swap3A_41 = arith.index_cast %scan3A_35 : i32 to index
      %swap3A_42 = arith.constant 32 : index
      %swap3A_43 = tpu.vector_load %arg8[%swap3A_41, %swap3A_42] {strides = array<i32>} : memref<128x128xf32, #tpu.memory_space<vmem>>, vector<16xf32>,
      tpu.vector_store %arg8[%swap3A_41, %swap3A_42], %broadcast_in_dim3A_0 {strides = array<i32>} : memref<128x128xf32, #tpu.memory_space<vmem>>, vector<16xf32>,
      %swap3A_44 = arith.index_cast %scan3A_35 : i32 to index
      %swap3A_45 = arith.constant 48 : index
      %swap3A_46 = tpu.vector_load %arg8[%swap3A_44, %swap3A_45] {strides = array<i32>} : memref<128x128xf32, #tpu.memory_space<vmem>>, vector<16xf32>,
      tpu.vector_store %arg8[%swap3A_44, %swap3A_45], %broadcast_in_dim3A_0 {strides = array<i32>} : memref<128x128xf32, #tpu.memory_space<vmem>>, vector<16xf32>,
      %swap3A_47 = arith.index_cast %scan3A_35 : i32 to index
      %swap3A_48 = arith.constant 64 : index
      %swap3A_49 = tpu.vector_load %arg8[%swap3A_47, %swap3A_48] {strides = array<i32>} : memref<128x128xf32, #tpu.memory_space<vmem>>, vector<16xf32>,
      tpu.vector_store %arg8[%swap3A_47, %swap3A_48], %broadcast_in_dim3A_0 {strides = array<i32>} : memref<128x128xf32, #tpu.memory_space<vmem>>, vector<16xf32>,
      %swap3A_50 = arith.index_cast %scan3A_35 : i32 to index
      %swap3A_51 = arith.constant 80 : index
      %swap3A_52 = tpu.vector_load %arg8[%swap3A_50, %swap3A_51] {strides = array<i32>} : memref<128x128xf32, #tpu.memory_space<vmem>>, vector<16xf32>,
      tpu.vector_store %arg8[%swap3A_50, %swap3A_51], %broadcast_in_dim3A_0 {strides = array<i32>} : memref<128x128xf32, #tpu.memory_space<vmem>>, vector<16xf32>,
      %swap3A_53 = arith.index_cast %scan3A_35 : i32 to index
      %swap3A_54 = arith.constant 96 : index
      %swap3A_55 = tpu.vector_load %arg8[%swap3A_53, %swap3A_54] {strides = array<i32>} : memref<128x128xf32, #tpu.memory_space<vmem>>, vector<16xf32>,
      tpu.vector_store %arg8[%swap3A_53, %swap3A_54], %broadcast_in_dim3A_0 {strides = array<i32>} : memref<128x128xf32, #tpu.memory_space<vmem>>, vector<16xf32>,
      %swap3A_56 = arith.index_cast %scan3A_35 : i32 to index
      %swap3A_57 = arith.constant 112 : index
      %swap3A_58 = tpu.vector_load %arg8[%swap3A_56, %swap3A_57] {strides = array<i32>} : memref<128x128xf32, #tpu.memory_space<vmem>>, vector<16xf32>,
      tpu.vector_store %arg8[%swap3A_56, %swap3A_57], %broadcast_in_dim3A_0 {strides = array<i32>} : memref<128x128xf32, #tpu.memory_space<vmem>>, vector<16xf32>,
    }
    %scan3A_5 = arith.constant 128 : i32
    %mul3A = arith.constant 640 : i32
    %mul3A_6 = arith.muli %arg1, %mul3A : i32
    %add3A = arith.constant 0 : i32
    %add3A_7 = arith.addi %mul3A_6, %add3A : i32
    "tpu.region"() ({
      %run_scoped3A = tpu.sem_alloc : memref<!tpu.dma_semaphore, #tpu.memory_space<semaphore_mem>>
      %dma_start3A = arith.constant 0 : i32
      %dma_start3A_35 = tpu.memref_slice %arg10[%add3A_7, %dma_start3A] : memref<10240x128xf32, #tpu.memory_space<vmem_shared>> -> memref<128x128xf32, #tpu.memory_space<vmem_shared>>
      %dma_start3A_36 = arith.constant 0 : i32
      %dma_start3A_37 = tpu.memref_slice %arg10[%add3A_7, %dma_start3A_36] : memref<10240x128xf32, #tpu.memory_space<vmem_shared>> -> memref<128x128xf32, #tpu.memory_space<vmem_shared>>
      tpu.enqueue_dma source(%arg8 : memref<128x128xf32, #tpu.memory_space<vmem>>) target(%dma_start3A_37 : memref<128x128xf32, #tpu.memory_space<vmem_shared>>) target_semaphore(%run_scoped3A : memref<!tpu.dma_semaphore, #tpu.memory_space<semaphore_mem>>)
      %dma_wait3A = arith.constant 0 : i32
      %dma_wait3A_38 = tpu.memref_slice %arg10[%add3A_7, %dma_wait3A] : memref<10240x128xf32, #tpu.memory_space<vmem_shared>> -> memref<128x128xf32, #tpu.memory_space<vmem_shared>>
      %dma_wait3A_39 = arith.constant 0 : i32
      %dma_wait3A_40 = tpu.memref_slice %arg10[%add3A_7, %dma_wait3A_39] : memref<10240x128xf32, #tpu.memory_space<vmem_shared>> -> memref<128x128xf32, #tpu.memory_space<vmem_shared>>
      tpu.wait_dma2 semaphore(%run_scoped3A : memref<!tpu.dma_semaphore, #tpu.memory_space<semaphore_mem>>) src(%arg8 : memref<128x128xf32, #tpu.memory_space<vmem>>) dst(%dma_wait3A_40 : memref<128x128xf32, #tpu.memory_space<vmem_shared>>)
      tpu.yield
    }) : () -> ()
    %mul3A_8 = arith.constant 640 : i32
    %mul3A_9 = arith.muli %arg1, %mul3A_8 : i32
    %add3A_10 = arith.constant 128 : i32
    %add3A_11 = arith.addi %mul3A_9, %add3A_10 : i32
    "tpu.region"() ({
      %run_scoped3A = tpu.sem_alloc : memref<!tpu.dma_semaphore, #tpu.memory_space<semaphore_mem>>
      %dma_start3A = arith.constant 0 : i32
      %dma_start3A_35 = tpu.memref_slice %arg10[%add3A_11, %dma_start3A] : memref<10240x128xf32, #tpu.memory_space<vmem_shared>> -> memref<128x128xf32, #tpu.memory_space<vmem_shared>>
      %dma_start3A_36 = arith.constant 0 : i32
      %dma_start3A_37 = tpu.memref_slice %arg10[%add3A_11, %dma_start3A_36] : memref<10240x128xf32, #tpu.memory_space<vmem_shared>> -> memref<128x128xf32, #tpu.memory_space<vmem_shared>>
      tpu.enqueue_dma source(%arg8 : memref<128x128xf32, #tpu.memory_space<vmem>>) target(%dma_start3A_37 : memref<128x128xf32, #tpu.memory_space<vmem_shared>>) target_semaphore(%run_scoped3A : memref<!tpu.dma_semaphore, #tpu.memory_space<semaphore_mem>>)
      %dma_wait3A = arith.constant 0 : i32
      %dma_wait3A_38 = tpu.memref_slice %arg10[%add3A_11, %dma_wait3A] : memref<10240x128xf32, #tpu.memory_space<vmem_shared>> -> memref<128x128xf32, #tpu.memory_space<vmem_shared>>
      %dma_wait3A_39 = arith.constant 0 : i32
      %dma_wait3A_40 = tpu.memref_slice %arg10[%add3A_11, %dma_wait3A_39] : memref<10240x128xf32, #tpu.memory_space<vmem_shared>> -> memref<128x128xf32, #tpu.memory_space<vmem_shared>>
      tpu.wait_dma2 semaphore(%run_scoped3A : memref<!tpu.dma_semaphore, #tpu.memory_space<semaphore_mem>>) src(%arg8 : memref<128x128xf32, #tpu.memory_space<vmem>>) dst(%dma_wait3A_40 : memref<128x128xf32, #tpu.memory_space<vmem_shared>>)
      tpu.yield
    }) : () -> ()
    %mul3A_12 = arith.constant 640 : i32
    %mul3A_13 = arith.muli %arg1, %mul3A_12 : i32
    %add3A_14 = arith.constant 256 : i32
    %add3A_15 = arith.addi %mul3A_13, %add3A_14 : i32
    "tpu.region"() ({
      %run_scoped3A = tpu.sem_alloc : memref<!tpu.dma_semaphore, #tpu.memory_space<semaphore_mem>>
      %dma_start3A = arith.constant 0 : i32
      %dma_start3A_35 = tpu.memref_slice %arg10[%add3A_15, %dma_start3A] : memref<10240x128xf32, #tpu.memory_space<vmem_shared>> -> memref<128x128xf32, #tpu.memory_space<vmem_shared>>
      %dma_start3A_36 = arith.constant 0 : i32
      %dma_start3A_37 = tpu.memref_slice %arg10[%add3A_15, %dma_start3A_36] : memref<10240x128xf32, #tpu.memory_space<vmem_shared>> -> memref<128x128xf32, #tpu.memory_space<vmem_shared>>
      tpu.enqueue_dma source(%arg8 : memref<128x128xf32, #tpu.memory_space<vmem>>) target(%dma_start3A_37 : memref<128x128xf32, #tpu.memory_space<vmem_shared>>) target_semaphore(%run_scoped3A : memref<!tpu.dma_semaphore, #tpu.memory_space<semaphore_mem>>)
      %dma_wait3A = arith.constant 0 : i32
      %dma_wait3A_38 = tpu.memref_slice %arg10[%add3A_15, %dma_wait3A] : memref<10240x128xf32, #tpu.memory_space<vmem_shared>> -> memref<128x128xf32, #tpu.memory_space<vmem_shared>>
      %dma_wait3A_39 = arith.constant 0 : i32
      %dma_wait3A_40 = tpu.memref_slice %arg10[%add3A_15, %dma_wait3A_39] : memref<10240x128xf32, #tpu.memory_space<vmem_shared>> -> memref<128x128xf32, #tpu.memory_space<vmem_shared>>
      tpu.wait_dma2 semaphore(%run_scoped3A : memref<!tpu.dma_semaphore, #tpu.memory_space<semaphore_mem>>) src(%arg8 : memref<128x128xf32, #tpu.memory_space<vmem>>) dst(%dma_wait3A_40 : memref<128x128xf32, #tpu.memory_space<vmem_shared>>)
      tpu.yield
    }) : () -> ()
    %mul3A_16 = arith.constant 640 : i32
    %mul3A_17 = arith.muli %arg1, %mul3A_16 : i32
    %add3A_18 = arith.constant 384 : i32
    %add3A_19 = arith.addi %mul3A_17, %add3A_18 : i32
    "tpu.region"() ({
      %run_scoped3A = tpu.sem_alloc : memref<!tpu.dma_semaphore, #tpu.memory_space<semaphore_mem>>
      %dma_start3A = arith.constant 0 : i32
      %dma_start3A_35 = tpu.memref_slice %arg10[%add3A_19, %dma_start3A] : memref<10240x128xf32, #tpu.memory_space<vmem_shared>> -> memref<128x128xf32, #tpu.memory_space<vmem_shared>>
      %dma_start3A_36 = arith.constant 0 : i32
      %dma_start3A_37 = tpu.memref_slice %arg10[%add3A_19, %dma_start3A_36] : memref<10240x128xf32, #tpu.memory_space<vmem_shared>> -> memref<128x128xf32, #tpu.memory_space<vmem_shared>>
      tpu.enqueue_dma source(%arg8 : memref<128x128xf32, #tpu.memory_space<vmem>>) target(%dma_start3A_37 : memref<128x128xf32, #tpu.memory_space<vmem_shared>>) target_semaphore(%run_scoped3A : memref<!tpu.dma_semaphore, #tpu.memory_space<semaphore_mem>>)
      %dma_wait3A = arith.constant 0 : i32
      %dma_wait3A_38 = tpu.memref_slice %arg10[%add3A_19, %dma_wait3A] : memref<10240x128xf32, #tpu.memory_space<vmem_shared>> -> memref<128x128xf32, #tpu.memory_space<vmem_shared>>
      %dma_wait3A_39 = arith.constant 0 : i32
      %dma_wait3A_40 = tpu.memref_slice %arg10[%add3A_19, %dma_wait3A_39] : memref<10240x128xf32, #tpu.memory_space<vmem_shared>> -> memref<128x128xf32, #tpu.memory_space<vmem_shared>>
      tpu.wait_dma2 semaphore(%run_scoped3A : memref<!tpu.dma_semaphore, #tpu.memory_space<semaphore_mem>>) src(%arg8 : memref<128x128xf32, #tpu.memory_space<vmem>>) dst(%dma_wait3A_40 : memref<128x128xf32, #tpu.memory_space<vmem_shared>>)
      tpu.yield
    }) : () -> ()
    %mul3A_20 = arith.constant 640 : i32
    %mul3A_21 = arith.muli %arg1, %mul3A_20 : i32
    %add3A_22 = arith.constant 512 : i32
    %add3A_23 = arith.addi %mul3A_21, %add3A_22 : i32
    "tpu.region"() ({
      %run_scoped3A = tpu.sem_alloc : memref<!tpu.dma_semaphore, #tpu.memory_space<semaphore_mem>>
      %dma_start3A = arith.constant 0 : i32
      %dma_start3A_35 = tpu.memref_slice %arg10[%add3A_23, %dma_start3A] : memref<10240x128xf32, #tpu.memory_space<vmem_shared>> -> memref<128x128xf32, #tpu.memory_space<vmem_shared>>
      %dma_start3A_36 = arith.constant 0 : i32
      %dma_start3A_37 = tpu.memref_slice %arg10[%add3A_23, %dma_start3A_36] : memref<10240x128xf32, #tpu.memory_space<vmem_shared>> -> memref<128x128xf32, #tpu.memory_space<vmem_shared>>
      tpu.enqueue_dma source(%arg8 : memref<128x128xf32, #tpu.memory_space<vmem>>) target(%dma_start3A_37 : memref<128x128xf32, #tpu.memory_space<vmem_shared>>) target_semaphore(%run_scoped3A : memref<!tpu.dma_semaphore, #tpu.memory_space<semaphore_mem>>)
      %dma_wait3A = arith.constant 0 : i32
      %dma_wait3A_38 = tpu.memref_slice %arg10[%add3A_23, %dma_wait3A] : memref<10240x128xf32, #tpu.memory_space<vmem_shared>> -> memref<128x128xf32, #tpu.memory_space<vmem_shared>>
      %dma_wait3A_39 = arith.constant 0 : i32
      %dma_wait3A_40 = tpu.memref_slice %arg10[%add3A_23, %dma_wait3A_39] : memref<10240x128xf32, #tpu.memory_space<vmem_shared>> -> memref<128x128xf32, #tpu.memory_space<vmem_shared>>
      tpu.wait_dma2 semaphore(%run_scoped3A : memref<!tpu.dma_semaphore, #tpu.memory_space<semaphore_mem>>) src(%arg8 : memref<128x128xf32, #tpu.memory_space<vmem>>) dst(%dma_wait3A_40 : memref<128x128xf32, #tpu.memory_space<vmem_shared>>)
      tpu.yield
    }) : () -> ()
    "tpu.region"() ({
      %run_scoped3A = tpu.sem_alloc : memref<!tpu.dma_semaphore, #tpu.memory_space<semaphore_mem>>
      %dma_start3A = arith.constant 0 : i32
      %dma_start3A_35 = arith.constant 0 : i32
      %dma_start3A_36 = tpu.memref_slice %arg4[%arg1, %dma_start3A, %dma_start3A_35] : memref<16x80x128xi32, #tpu.memory_space<hbm>> -> memref<1x80x128xi32, #tpu.memory_space<hbm>>
      %dma_start3A_37 = tpu.memref_squeeze %dma_start3A_36 : memref<1x80x128xi32, #tpu.memory_space<hbm>> -> memref<80x128xi32, #tpu.memory_space<hbm>>
      %dma_start3A_38 = arith.constant 0 : i32
      %dma_start3A_39 = arith.constant 0 : i32
      %dma_start3A_40 = tpu.memref_slice %arg4[%arg1, %dma_start3A_38, %dma_start3A_39] : memref<16x80x128xi32, #tpu.memory_space<hbm>> -> memref<1x80x128xi32, #tpu.memory_space<hbm>>
      %dma_start3A_41 = tpu.memref_squeeze %dma_start3A_40 : memref<1x80x128xi32, #tpu.memory_space<hbm>> -> memref<80x128xi32, #tpu.memory_space<hbm>>
      tpu.enqueue_dma source(%dma_start3A_41 : memref<80x128xi32, #tpu.memory_space<hbm>>) target(%arg6 : memref<80x128xi32, #tpu.memory_space<vmem>>) target_semaphore(%run_scoped3A : memref<!tpu.dma_semaphore, #tpu.memory_space<semaphore_mem>>)
      %dma_wait3A = arith.constant 0 : i32
      %dma_wait3A_42 = arith.constant 0 : i32
      %dma_wait3A_43 = tpu.memref_slice %arg4[%arg1, %dma_wait3A, %dma_wait3A_42] : memref<16x80x128xi32, #tpu.memory_space<hbm>> -> memref<1x80x128xi32, #tpu.memory_space<hbm>>
      %dma_wait3A_44 = tpu.memref_squeeze %dma_wait3A_43 : memref<1x80x128xi32, #tpu.memory_space<hbm>> -> memref<80x128xi32, #tpu.memory_space<hbm>>
      %dma_wait3A_45 = arith.constant 0 : i32
      %dma_wait3A_46 = arith.constant 0 : i32
      %dma_wait3A_47 = tpu.memref_slice %arg4[%arg1, %dma_wait3A_45, %dma_wait3A_46] : memref<16x80x128xi32, #tpu.memory_space<hbm>> -> memref<1x80x128xi32, #tpu.memory_space<hbm>>
      %dma_wait3A_48 = tpu.memref_squeeze %dma_wait3A_47 : memref<1x80x128xi32, #tpu.memory_space<hbm>> -> memref<80x128xi32, #tpu.memory_space<hbm>>
      tpu.wait_dma2 semaphore(%run_scoped3A : memref<!tpu.dma_semaphore, #tpu.memory_space<semaphore_mem>>) src(%dma_wait3A_48 : memref<80x128xi32, #tpu.memory_space<hbm>>) dst(%arg6 : memref<80x128xi32, #tpu.memory_space<vmem>>)
      tpu.yield
    }) : () -> ()
    %barrier3A = arith.constant 0 : index
    tpu.barrier barrier_id(%barrier3A)
    %scan3A_24 = arith.constant 0 : i32
    %scan3A_25 = arith.constant 0 : i32
    %scan3A_26 = arith.constant 10 : i32
    %scan3A_27 = arith.addi %scan3A_25, %scan3A_26 : i32
    %scan3A_28 = arith.constant 1 : i32
    scf.for %scan3A_35 = %scan3A_25 to %scan3A_27 step %scan3A_28  : i32 {
      %mul3A_36 = arith.constant 8 : i32
      %mul3A_37 = arith.muli %scan3A_35, %mul3A_36 : i32
      "tpu.region"() ({
        %run_scoped3A = tpu.sem_alloc : memref<!tpu.dma_semaphore, #tpu.memory_space<semaphore_mem>>
        %dma_start3A = arith.constant 0 : i32
        %dma_start3A_44 = tpu.memref_slice %arg3[%arg1, %mul3A_37, %dma_start3A] : memref<16x80x128xi32, #tpu.memory_space<hbm>> -> memref<1x8x128xi32, #tpu.memory_space<hbm>>
        %dma_start3A_45 = tpu.memref_squeeze %dma_start3A_44 : memref<1x8x128xi32, #tpu.memory_space<hbm>> -> memref<8x128xi32, #tpu.memory_space<hbm>>
        %dma_start3A_46 = arith.constant 0 : i32
        %dma_start3A_47 = tpu.memref_slice %arg3[%arg1, %mul3A_37, %dma_start3A_46] : memref<16x80x128xi32, #tpu.memory_space<hbm>> -> memref<1x8x128xi32, #tpu.memory_space<hbm>>
        %dma_start3A_48 = tpu.memref_squeeze %dma_start3A_47 : memref<1x8x128xi32, #tpu.memory_space<hbm>> -> memref<8x128xi32, #tpu.memory_space<hbm>>
        tpu.enqueue_dma source(%dma_start3A_48 : memref<8x128xi32, #tpu.memory_space<hbm>>) target(%arg7 : memref<8x128xi32, #tpu.memory_space<vmem>>) target_semaphore(%run_scoped3A : memref<!tpu.dma_semaphore, #tpu.memory_space<semaphore_mem>>)
        %dma_wait3A = arith.constant 0 : i32
        %dma_wait3A_49 = tpu.memref_slice %arg3[%arg1, %mul3A_37, %dma_wait3A] : memref<16x80x128xi32, #tpu.memory_space<hbm>> -> memref<1x8x128xi32, #tpu.memory_space<hbm>>
        %dma_wait3A_50 = tpu.memref_squeeze %dma_wait3A_49 : memref<1x8x128xi32, #tpu.memory_space<hbm>> -> memref<8x128xi32, #tpu.memory_space<hbm>>
        %dma_wait3A_51 = arith.constant 0 : i32
        %dma_wait3A_52 = tpu.memref_slice %arg3[%arg1, %mul3A_37, %dma_wait3A_51] : memref<16x80x128xi32, #tpu.memory_space<hbm>> -> memref<1x8x128xi32, #tpu.memory_space<hbm>>
        %dma_wait3A_53 = tpu.memref_squeeze %dma_wait3A_52 : memref<1x8x128xi32, #tpu.memory_space<hbm>> -> memref<8x128xi32, #tpu.memory_space<hbm>>
        tpu.wait_dma2 semaphore(%run_scoped3A : memref<!tpu.dma_semaphore, #tpu.memory_space<semaphore_mem>>) src(%dma_wait3A_53 : memref<8x128xi32, #tpu.memory_space<hbm>>) dst(%arg7 : memref<8x128xi32, #tpu.memory_space<vmem>>)
        tpu.yield
      }) : () -> ()
      %scan3A_38 = arith.constant 0 : i32
      %scan3A_39 = arith.constant 0 : i32
      %scan3A_40 = arith.constant 4 : i32
      %scan3A_41 = arith.addi %scan3A_39, %scan3A_40 : i32
      %scan3A_42 = arith.constant 1 : i32
      scf.for %scan3A_44 = %scan3A_39 to %scan3A_41 step %scan3A_42  : i32 {
        %mul3A_45 = arith.constant 8 : i32
        %mul3A_46 = arith.muli %scan3A_35, %mul3A_45 : i32
        %mul3A_47 = arith.constant 2 : i32
        %mul3A_48 = arith.muli %scan3A_44, %mul3A_47 : i32
        %add3A_49 = arith.addi %mul3A_46, %mul3A_48 : i32
        %mul3A_50 = arith.constant 2 : i32
        %mul3A_51 = arith.muli %scan3A_44, %mul3A_50 : i32
        %dma_start3A = arith.constant 0 : i32
        %dma_start3A_52 = tpu.memref_slice %arg7[%mul3A_51, %dma_start3A] : memref<8x128xi32, #tpu.memory_space<vmem>> -> memref<1x128xi32, #tpu.memory_space<vmem>>
        %dma_start3A_53 = tpu.memref_squeeze %dma_start3A_52 : memref<1x128xi32, #tpu.memory_space<vmem>> -> memref<128xi32, #tpu.memory_space<vmem>>
        %dma_start3A_54 = arith.constant 0 : i32
        %dma_start3A_55 = arith.constant 0 : i32
        %dma_start3A_56 = tpu.memref_slice %arg2[%arg0, %dma_start3A_54, %dma_start3A_55] : memref<2x10240x128xf32, #tpu.memory_space<hbm>> -> memref<1x10240x128xf32, #tpu.memory_space<hbm>>
        %dma_start3A_57 = tpu.memref_squeeze %dma_start3A_56 : memref<1x10240x128xf32, #tpu.memory_space<hbm>> -> memref<10240x128xf32, #tpu.memory_space<hbm>>
        %dma_start3A_58 = arith.constant 0 : i32
        %dma_start3A_59 = arith.constant 0 : i32
        %dma_start3A_60 = tpu.memref_slice %dma_start3A_57[%dma_start3A_58, %dma_start3A_59] : memref<10240x128xf32, #tpu.memory_space<hbm>> -> memref<10240x128xf32, #tpu.memory_space<hbm>>
        tpu.enqueue_indirect_dma source(%dma_start3A_60 : memref<10240x128xf32, #tpu.memory_space<hbm>>) target(%arg8 : memref<128x128xf32, #tpu.memory_space<vmem>>) offsets(%dma_start3A_53 : memref<128xi32, #tpu.memory_space<vmem>>) semaphore(%arg11 : memref<!tpu.dma_semaphore, #tpu.memory_space<semaphore_mem>>)
        %mul3A_61 = arith.constant 2 : i32
        %mul3A_62 = arith.muli %scan3A_44, %mul3A_61 : i32
        %add3A_63 = arith.constant 1 : i32
        %add3A_64 = arith.addi %mul3A_62, %add3A_63 : i32
        %dma_start3A_65 = arith.constant 0 : i32
        %dma_start3A_66 = tpu.memref_slice %arg7[%add3A_64, %dma_start3A_65] : memref<8x128xi32, #tpu.memory_space<vmem>> -> memref<1x128xi32, #tpu.memory_space<vmem>>
        %dma_start3A_67 = tpu.memref_squeeze %dma_start3A_66 : memref<1x128xi32, #tpu.memory_space<vmem>> -> memref<128xi32, #tpu.memory_space<vmem>>
        %dma_start3A_68 = arith.constant 0 : i32
        %dma_start3A_69 = arith.constant 0 : i32
        %dma_start3A_70 = tpu.memref_slice %arg2[%arg0, %dma_start3A_68, %dma_start3A_69] : memref<2x10240x128xf32, #tpu.memory_space<hbm>> -> memref<1x10240x128xf32, #tpu.memory_space<hbm>>
        %dma_start3A_71 = tpu.memref_squeeze %dma_start3A_70 : memref<1x10240x128xf32, #tpu.memory_space<hbm>> -> memref<10240x128xf32, #tpu.memory_space<hbm>>
        %dma_start3A_72 = arith.constant 0 : i32
        %dma_start3A_73 = arith.constant 0 : i32
        %dma_start3A_74 = tpu.memref_slice %dma_start3A_71[%dma_start3A_72, %dma_start3A_73] : memref<10240x128xf32, #tpu.memory_space<hbm>> -> memref<10240x128xf32, #tpu.memory_space<hbm>>
        tpu.enqueue_indirect_dma source(%dma_start3A_74 : memref<10240x128xf32, #tpu.memory_space<hbm>>) target(%arg9 : memref<128x128xf32, #tpu.memory_space<vmem>>) offsets(%dma_start3A_67 : memref<128xi32, #tpu.memory_space<vmem>>) semaphore(%arg12 : memref<!tpu.dma_semaphore, #tpu.memory_space<semaphore_mem>>)
        %dma_wait3A = arith.constant 0 : i32
        %dma_wait3A_75 = tpu.memref_slice %arg7[%mul3A_51, %dma_wait3A] : memref<8x128xi32, #tpu.memory_space<vmem>> -> memref<1x128xi32, #tpu.memory_space<vmem>>
        %dma_wait3A_76 = tpu.memref_squeeze %dma_wait3A_75 : memref<1x128xi32, #tpu.memory_space<vmem>> -> memref<128xi32, #tpu.memory_space<vmem>>
        %dma_wait3A_77 = arith.constant 0 : i32
        %dma_wait3A_78 = arith.constant 0 : i32
        %dma_wait3A_79 = tpu.memref_slice %arg2[%arg0, %dma_wait3A_77, %dma_wait3A_78] : memref<2x10240x128xf32, #tpu.memory_space<hbm>> -> memref<1x10240x128xf32, #tpu.memory_space<hbm>>
        %dma_wait3A_80 = tpu.memref_squeeze %dma_wait3A_79 : memref<1x10240x128xf32, #tpu.memory_space<hbm>> -> memref<10240x128xf32, #tpu.memory_space<hbm>>
        %dma_wait3A_81 = arith.constant 0 : i32
        %dma_wait3A_82 = arith.constant 0 : i32
        %dma_wait3A_83 = tpu.memref_slice %dma_wait3A_80[%dma_wait3A_81, %dma_wait3A_82] : memref<10240x128xf32, #tpu.memory_space<hbm>> -> memref<10240x128xf32, #tpu.memory_space<hbm>>
        tpu.wait_indirect_dma semaphore(%arg11 : memref<!tpu.dma_semaphore, #tpu.memory_space<semaphore_mem>>) src(%dma_wait3A_83 : memref<10240x128xf32, #tpu.memory_space<hbm>>) dst(%arg8 : memref<128x128xf32, #tpu.memory_space<vmem>>)
        "tpu.region"() ({
          %run_scoped3A = tpu.sem_alloc : memref<!tpu.dma_semaphore, #tpu.memory_space<semaphore_mem>>
          %dma_start3A_96 = arith.constant 0 : i32
          %dma_start3A_97 = tpu.memref_slice %arg6[%add3A_49, %dma_start3A_96] : memref<80x128xi32, #tpu.memory_space<vmem>> -> memref<1x128xi32, #tpu.memory_space<vmem>>
          %dma_start3A_98 = tpu.memref_squeeze %dma_start3A_97 : memref<1x128xi32, #tpu.memory_space<vmem>> -> memref<128xi32, #tpu.memory_space<vmem>>
          %dma_start3A_99 = arith.constant 0 : i32
          %dma_start3A_100 = arith.constant 0 : i32
          %dma_start3A_101 = tpu.memref_slice %arg10[%dma_start3A_99, %dma_start3A_100] : memref<10240x128xf32, #tpu.memory_space<vmem_shared>> -> memref<10240x128xf32, #tpu.memory_space<vmem_shared>>
          tpu.enqueue_indirect_dma source(%arg8 : memref<128x128xf32, #tpu.memory_space<vmem>>) target(%dma_start3A_101 : memref<10240x128xf32, #tpu.memory_space<vmem_shared>>) offsets(%dma_start3A_98 : memref<128xi32, #tpu.memory_space<vmem>>) semaphore(%run_scoped3A : memref<!tpu.dma_semaphore, #tpu.memory_space<semaphore_mem>>) {add = true}
          %dma_wait3A_102 = arith.constant 0 : i32
          %dma_wait3A_103 = tpu.memref_slice %arg6[%add3A_49, %dma_wait3A_102] : memref<80x128xi32, #tpu.memory_space<vmem>> -> memref<1x128xi32, #tpu.memory_space<vmem>>
          %dma_wait3A_104 = tpu.memref_squeeze %dma_wait3A_103 : memref<1x128xi32, #tpu.memory_space<vmem>> -> memref<128xi32, #tpu.memory_space<vmem>>
          %dma_wait3A_105 = arith.constant 0 : i32
          %dma_wait3A_106 = arith.constant 0 : i32
          %dma_wait3A_107 = tpu.memref_slice %arg10[%dma_wait3A_105, %dma_wait3A_106] : memref<10240x128xf32, #tpu.memory_space<vmem_shared>> -> memref<10240x128xf32, #tpu.memory_space<vmem_shared>>
          tpu.wait_indirect_dma semaphore(%run_scoped3A : memref<!tpu.dma_semaphore, #tpu.memory_space<semaphore_mem>>) src(%arg8 : memref<128x128xf32, #tpu.memory_space<vmem>>) dst(%dma_wait3A_107 : memref<10240x128xf32, #tpu.memory_space<vmem_shared>>)
          tpu.yield
        }) : () -> ()
        %dma_wait3A_84 = arith.constant 0 : i32
        %dma_wait3A_85 = tpu.memref_slice %arg7[%add3A_64, %dma_wait3A_84] : memref<8x128xi32, #tpu.memory_space<vmem>> -> memref<1x128xi32, #tpu.memory_space<vmem>>
        %dma_wait3A_86 = tpu.memref_squeeze %dma_wait3A_85 : memref<1x128xi32, #tpu.memory_space<vmem>> -> memref<128xi32, #tpu.memory_space<vmem>>
        %dma_wait3A_87 = arith.constant 0 : i32
        %dma_wait3A_88 = arith.constant 0 : i32
        %dma_wait3A_89 = tpu.memref_slice %arg2[%arg0, %dma_wait3A_87, %dma_wait3A_88] : memref<2x10240x128xf32, #tpu.memory_space<hbm>> -> memref<1x10240x128xf32, #tpu.memory_space<hbm>>
        %dma_wait3A_90 = tpu.memref_squeeze %dma_wait3A_89 : memref<1x10240x128xf32, #tpu.memory_space<hbm>> -> memref<10240x128xf32, #tpu.memory_space<hbm>>
        %dma_wait3A_91 = arith.constant 0 : i32
        %dma_wait3A_92 = arith.constant 0 : i32
        %dma_wait3A_93 = tpu.memref_slice %dma_wait3A_90[%dma_wait3A_91, %dma_wait3A_92] : memref<10240x128xf32, #tpu.memory_space<hbm>> -> memref<10240x128xf32, #tpu.memory_space<hbm>>
        tpu.wait_indirect_dma semaphore(%arg12 : memref<!tpu.dma_semaphore, #tpu.memory_space<semaphore_mem>>) src(%dma_wait3A_93 : memref<10240x128xf32, #tpu.memory_space<hbm>>) dst(%arg9 : memref<128x128xf32, #tpu.memory_space<vmem>>)
        %add3A_94 = arith.constant 1 : i32
        %add3A_95 = arith.addi %add3A_49, %add3A_94 : i32
        "tpu.region"() ({
          %run_scoped3A = tpu.sem_alloc : memref<!tpu.dma_semaphore, #tpu.memory_space<semaphore_mem>>
          %dma_start3A_96 = arith.constant 0 : i32
          %dma_start3A_97 = tpu.memref_slice %arg6[%add3A_95, %dma_start3A_96] : memref<80x128xi32, #tpu.memory_space<vmem>> -> memref<1x128xi32, #tpu.memory_space<vmem>>
          %dma_start3A_98 = tpu.memref_squeeze %dma_start3A_97 : memref<1x128xi32, #tpu.memory_space<vmem>> -> memref<128xi32, #tpu.memory_space<vmem>>
          %dma_start3A_99 = arith.constant 0 : i32
          %dma_start3A_100 = arith.constant 0 : i32
          %dma_start3A_101 = tpu.memref_slice %arg10[%dma_start3A_99, %dma_start3A_100] : memref<10240x128xf32, #tpu.memory_space<vmem_shared>> -> memref<10240x128xf32, #tpu.memory_space<vmem_shared>>
          tpu.enqueue_indirect_dma source(%arg9 : memref<128x128xf32, #tpu.memory_space<vmem>>) target(%dma_start3A_101 : memref<10240x128xf32, #tpu.memory_space<vmem_shared>>) offsets(%dma_start3A_98 : memref<128xi32, #tpu.memory_space<vmem>>) semaphore(%run_scoped3A : memref<!tpu.dma_semaphore, #tpu.memory_space<semaphore_mem>>) {add = true}
          %dma_wait3A_102 = arith.constant 0 : i32
          %dma_wait3A_103 = tpu.memref_slice %arg6[%add3A_95, %dma_wait3A_102] : memref<80x128xi32, #tpu.memory_space<vmem>> -> memref<1x128xi32, #tpu.memory_space<vmem>>
          %dma_wait3A_104 = tpu.memref_squeeze %dma_wait3A_103 : memref<1x128xi32, #tpu.memory_space<vmem>> -> memref<128xi32, #tpu.memory_space<vmem>>
          %dma_wait3A_105 = arith.constant 0 : i32
          %dma_wait3A_106 = arith.constant 0 : i32
          %dma_wait3A_107 = tpu.memref_slice %arg10[%dma_wait3A_105, %dma_wait3A_106] : memref<10240x128xf32, #tpu.memory_space<vmem_shared>> -> memref<10240x128xf32, #tpu.memory_space<vmem_shared>>
          tpu.wait_indirect_dma semaphore(%run_scoped3A : memref<!tpu.dma_semaphore, #tpu.memory_space<semaphore_mem>>) src(%arg9 : memref<128x128xf32, #tpu.memory_space<vmem>>) dst(%dma_wait3A_107 : memref<10240x128xf32, #tpu.memory_space<vmem_shared>>)
          tpu.yield
        }) : () -> ()
      }
      %scan3A_43 = arith.constant 4 : i32
    }
    %scan3A_29 = arith.constant 10 : i32
    %barrier3A_30 = arith.constant 0 : index
    tpu.barrier barrier_id(%barrier3A_30)
    %mul3A_31 = arith.constant 640 : i32
    %mul3A_32 = arith.muli %arg1, %mul3A_31 : i32
    %mul3A_33 = arith.constant 640 : i32
    %mul3A_34 = arith.muli %arg1, %mul3A_33 : i32
    "tpu.region"() ({
      %run_scoped3A = tpu.sem_alloc : memref<!tpu.dma_semaphore, #tpu.memory_space<semaphore_mem>>
      %dma_start3A = arith.constant 0 : i32
      %dma_start3A_35 = tpu.memref_slice %arg5[%arg0, %mul3A_34, %dma_start3A] : memref<2x10240x128xf32, #tpu.memory_space<hbm>> -> memref<1x640x128xf32, #tpu.memory_space<hbm>>
      %dma_start3A_36 = tpu.memref_squeeze %dma_start3A_35 : memref<1x640x128xf32, #tpu.memory_space<hbm>> -> memref<640x128xf32, #tpu.memory_space<hbm>>
      %dma_start3A_37 = arith.constant 0 : i32
      %dma_start3A_38 = tpu.memref_slice %arg10[%mul3A_32, %dma_start3A_37] : memref<10240x128xf32, #tpu.memory_space<vmem_shared>> -> memref<640x128xf32, #tpu.memory_space<vmem_shared>>
      tpu.enqueue_dma source(%dma_start3A_38 : memref<640x128xf32, #tpu.memory_space<vmem_shared>>) target(%dma_start3A_36 : memref<640x128xf32, #tpu.memory_space<hbm>>) target_semaphore(%run_scoped3A : memref<!tpu.dma_semaphore, #tpu.memory_space<semaphore_mem>>)
      %dma_wait3A = arith.constant 0 : i32
      %dma_wait3A_39 = tpu.memref_slice %arg5[%arg0, %mul3A_34, %dma_wait3A] : memref<2x10240x128xf32, #tpu.memory_space<hbm>> -> memref<1x640x128xf32, #tpu.memory_space<hbm>>
      %dma_wait3A_40 = tpu.memref_squeeze %dma_wait3A_39 : memref<1x640x128xf32, #tpu.memory_space<hbm>> -> memref<640x128xf32, #tpu.memory_space<hbm>>
      %dma_wait3A_41 = arith.constant 0 : i32
      %dma_wait3A_42 = tpu.memref_slice %arg10[%mul3A_32, %dma_wait3A_41] : memref<10240x128xf32, #tpu.memory_space<vmem_shared>> -> memref<640x128xf32, #tpu.memory_space<vmem_shared>>
      tpu.wait_dma2 semaphore(%run_scoped3A : memref<!tpu.dma_semaphore, #tpu.memory_space<semaphore_mem>>) src(%dma_wait3A_42 : memref<640x128xf32, #tpu.memory_space<vmem_shared>>) dst(%dma_wait3A_40 : memref<640x128xf32, #tpu.memory_space<hbm>>)
      tpu.yield
    }) : () -> ()
    return
  }
}

module attributes {stable_mosaic.version = 14 : i64} {
  func.func @body(%arg0: i32, %arg1: i32, %arg2: memref<512x256xf32, #tpu.memory_space<vmem>>, %arg3: memref<256x128xf32, #tpu.memory_space<vmem>>, %arg4: memref<32x512xf32, #tpu.memory_space<vmem>>, %arg5: memref<1x512x128xf32, #tpu.memory_space<vmem>>) attributes {dimension_semantics = [#tpu.dimension_semantics<arbitrary>, #tpu.dimension_semantics<arbitrary>], iteration_bounds = array<i64: 20, 2>, scalar_prefetch = 0 : i64, scratch_operands = 0 : i64, tpu.core_type = #tpu.core_type<tc>, window_params = [{transform_indices = @transform_0, window_bounds = array<i64: 512, 256>}, {transform_indices = @transform_1, window_bounds = array<i64: 256, 128>}, {transform_indices = @transform_2, window_bounds = array<i64: 32, 512>}, {transform_indices = @transform_3, window_bounds = array<i64: 1, 512, 128>}]} {
    %get3A = arith.constant 0 : index
    %get3A_0 = arith.constant 0 : index
    %get3A_1 = vector.load %arg4[%get3A, %get3A_0] : memref<32x512xf32, #tpu.memory_space<vmem>>, vector<32x512xf32>
    %reduce_sum3A = arith.constant dense<0.000000e+00> : vector<512xf32>
    %reduce_sum3A_2 = vector.multi_reduction <add>, %get3A_1, %reduce_sum3A [0] : vector<32x512xf32> to vector<512xf32>
    %add3A = arith.constant 1.000000e+00 : f32
    %add3A_3 = vector.broadcast %add3A : f32 to vector<512xf32>
    %add3A_4 = arith.addf %reduce_sum3A_2, %add3A_3 : vector<512xf32>
    %rsqrt3A = math.rsqrt %add3A_4 : vector<512xf32>
    %get3A_5 = arith.constant 0 : index
    %get3A_6 = arith.constant 0 : index
    %get3A_7 = vector.load %arg2[%get3A_5, %get3A_6] : memref<512x256xf32, #tpu.memory_space<vmem>>, vector<512x256xf32>
    %get3A_8 = arith.constant 0 : index
    %get3A_9 = arith.constant 0 : index
    %get3A_10 = vector.load %arg3[%get3A_8, %get3A_9] : memref<256x128xf32, #tpu.memory_space<vmem>>, vector<256x128xf32>
    %dot_general3A = arith.constant dense<0.000000e+00> : vector<512x128xf32>
    %dot_general3A_11 = tpu.matmul %get3A_7, %get3A_10, %dot_general3A {dimension_numbers = #tpu.dot_dimension_numbers<[1], [0], [0], [1], [0, 0, 1, 1], [], []>, transpose_lhs_hint = false} : vector<512x256xf32>, vector<256x128xf32>, vector<512x128xf32> -> vector<512x128xf32>
    %broadcast_in_dim3A = vector.shape_cast %rsqrt3A : vector<512xf32> to vector<512x1xf32>
    %mul3A = vector.broadcast %broadcast_in_dim3A : vector<512x1xf32> to vector<512x128xf32>
    %mul3A_12 = arith.mulf %dot_general3A_11, %mul3A : vector<512x128xf32>
    %swap3A = arith.constant 0 : index
    %swap3A_13 = arith.constant 0 : index
    %swap3A_14 = arith.constant 0 : index
    %swap3A_15 = vector.load %arg5[%swap3A, %swap3A_13, %swap3A_14] : memref<1x512x128xf32, #tpu.memory_space<vmem>>, vector<1x512x128xf32>
    %swap3A_16 = vector.shape_cast %swap3A_15 : vector<1x512x128xf32> to vector<512x128xf32>
    %swap3A_17 = vector.shape_cast %mul3A_12 : vector<512x128xf32> to vector<1x512x128xf32>
    tpu.vector_store %arg5[%swap3A, %swap3A_13, %swap3A_14], %swap3A_17 {strides = array<i32>} : memref<1x512x128xf32, #tpu.memory_space<vmem>>, vector<1x512x128xf32>,
    return
  }
  func.func @transform_0(%arg0: i32, %arg1: i32) -> (i32, i32) {
    %c0_i32 = arith.constant 0 : i32
    %c0_i32_0 = arith.constant 0 : i32
    return %arg0, %c0_i32 : i32, i32
  }
  func.func @transform_1(%arg0: i32, %arg1: i32) -> (i32, i32) {
    %c0_i32 = arith.constant 0 : i32
    %c0_i32_0 = arith.constant 0 : i32
    return %c0_i32, %arg1 : i32, i32
  }
  func.func @transform_2(%arg0: i32, %arg1: i32) -> (i32, i32) {
    %c0_i32 = arith.constant 0 : i32
    %c0_i32_0 = arith.constant 0 : i32
    return %c0_i32, %arg0 : i32, i32
  }
  func.func @transform_3(%arg0: i32, %arg1: i32) -> (i32, i32, i32) {
    %c0_i32 = arith.constant 0 : i32
    %c0_i32_0 = arith.constant 0 : i32
    return %arg1, %arg0, %c0_i32 : i32, i32, i32
  }
}

module attributes {stable_mosaic.version = 14 : i64} {
  func.func @body(%arg0: i32, %arg1: i32, %arg2: memref<1x512x128xf32, #tpu.memory_space<vmem>>, %arg3: memref<1x512x128xf32, #tpu.memory_space<vmem>>, %arg4: memref<32x512xf32, #tpu.memory_space<vmem>>, %arg5: memref<1x1x128xf32, #tpu.memory_space<vmem>>, %arg6: memref<512x128xf32, #tpu.memory_space<vmem>>) attributes {dimension_semantics = [#tpu.dimension_semantics<arbitrary>, #tpu.dimension_semantics<arbitrary>], iteration_bounds = array<i64: 20, 2>, scalar_prefetch = 0 : i64, scratch_operands = 0 : i64, tpu.core_type = #tpu.core_type<tc>, window_params = [{transform_indices = @transform_0, window_bounds = array<i64: 1, 512, 128>}, {transform_indices = @transform_1, window_bounds = array<i64: 1, 512, 128>}, {transform_indices = @transform_2, window_bounds = array<i64: 32, 512>}, {transform_indices = @transform_3, window_bounds = array<i64: 1, 1, 128>}, {transform_indices = @transform_4, window_bounds = array<i64: 512, 128>}]} {
    %get3A = arith.constant 0 : index
    %get3A_0 = arith.constant 0 : index
    %get3A_1 = vector.load %arg4[%get3A, %get3A_0] : memref<32x512xf32, #tpu.memory_space<vmem>>, vector<32x512xf32>
    %reduce_sum3A = arith.constant dense<0.000000e+00> : vector<512xf32>
    %reduce_sum3A_2 = vector.multi_reduction <add>, %get3A_1, %reduce_sum3A [0] : vector<32x512xf32> to vector<512xf32>
    %add3A = arith.constant 1.000000e+00 : f32
    %add3A_3 = vector.broadcast %add3A : f32 to vector<512xf32>
    %add3A_4 = arith.addf %reduce_sum3A_2, %add3A_3 : vector<512xf32>
    %rsqrt3A = math.rsqrt %add3A_4 : vector<512xf32>
    %get3A_5 = arith.constant 0 : index
    %get3A_6 = arith.constant 0 : index
    %get3A_7 = arith.constant 0 : index
    %get3A_8 = vector.load %arg2[%get3A_5, %get3A_6, %get3A_7] : memref<1x512x128xf32, #tpu.memory_space<vmem>>, vector<1x512x128xf32>
    %get3A_9 = vector.shape_cast %get3A_8 : vector<1x512x128xf32> to vector<512x128xf32>
    %get3A_10 = arith.constant 0 : index
    %get3A_11 = arith.constant 0 : index
    %get3A_12 = arith.constant 0 : index
    %get3A_13 = vector.load %arg3[%get3A_10, %get3A_11, %get3A_12] : memref<1x512x128xf32, #tpu.memory_space<vmem>>, vector<1x512x128xf32>
    %get3A_14 = vector.shape_cast %get3A_13 : vector<1x512x128xf32> to vector<512x128xf32>
    %add3A_15 = arith.addf %get3A_9, %get3A_14 : vector<512x128xf32>
    %broadcast_in_dim3A = vector.shape_cast %rsqrt3A : vector<512xf32> to vector<512x1xf32>
    %mul3A = vector.broadcast %broadcast_in_dim3A : vector<512x1xf32> to vector<512x128xf32>
    %mul3A_16 = arith.mulf %add3A_15, %mul3A : vector<512x128xf32>
    %get3A_17 = arith.constant 0 : index
    %get3A_18 = arith.constant 0 : index
    %get3A_19 = arith.constant 0 : index
    %get3A_20 = vector.load %arg5[%get3A_17, %get3A_18, %get3A_19] : memref<1x1x128xf32, #tpu.memory_space<vmem>>, vector<1x1x128xf32>
    %get3A_21 = vector.shape_cast %get3A_20 : vector<1x1x128xf32> to vector<128xf32>
    %broadcast_in_dim3A_22 = vector.shape_cast %get3A_21 : vector<128xf32> to vector<1x128xf32>
    %add3A_23 = vector.broadcast %broadcast_in_dim3A_22 : vector<1x128xf32> to vector<512x128xf32>
    %add3A_24 = arith.addf %mul3A_16, %add3A_23 : vector<512x128xf32>
    %swap3A = arith.constant 0 : index
    %swap3A_25 = arith.constant 0 : index
    %swap3A_26 = vector.load %arg6[%swap3A, %swap3A_25] : memref<512x128xf32, #tpu.memory_space<vmem>>, vector<512x128xf32>
    tpu.vector_store %arg6[%swap3A, %swap3A_25], %add3A_24 {strides = array<i32>} : memref<512x128xf32, #tpu.memory_space<vmem>>, vector<512x128xf32>,
    return
  }
  func.func @transform_0(%arg0: i32, %arg1: i32) -> (i32, i32, i32) {
    %c0_i32 = arith.constant 0 : i32
    %c0_i32_0 = arith.constant 0 : i32
    return %arg1, %arg0, %c0_i32 : i32, i32, i32
  }
  func.func @transform_1(%arg0: i32, %arg1: i32) -> (i32, i32, i32) {
    %c0_i32 = arith.constant 0 : i32
    %c0_i32_0 = arith.constant 0 : i32
    return %arg1, %arg0, %c0_i32 : i32, i32, i32
  }
  func.func @transform_2(%arg0: i32, %arg1: i32) -> (i32, i32) {
    %c0_i32 = arith.constant 0 : i32
    %c0_i32_0 = arith.constant 0 : i32
    return %c0_i32, %arg0 : i32, i32
  }
  func.func @transform_3(%arg0: i32, %arg1: i32) -> (i32, i32, i32) {
    %c0_i32 = arith.constant 0 : i32
    %c0_i32_0 = arith.constant 0 : i32
    %c0_i32_1 = arith.constant 0 : i32
    return %arg1, %c0_i32, %c0_i32_0 : i32, i32, i32
  }
  func.func @transform_4(%arg0: i32, %arg1: i32) -> (i32, i32) {
    %c0_i32 = arith.constant 0 : i32
    return %arg0, %arg1 : i32, i32
  }
}

</mosaic_0001>

<sc_bundles>
// kernel: kernel.6.cloned.1.call-start
scs
__scs_entry_jumppad:
0x0: {  	(pc) =	sbr.rel $0x88, $3  }
0x1: {  	(tag) =	ssettag $0x0;
	lr =	simm.s32 $0x1  }
0x2: {  	[smem:$0x3F9D] =	sst lr;
	_ =	strace $0xD0000000  }
0x3: {  	_ = 	snop  }
0x4: {  	_ = 	snop  }
0x5: {  	_ = 	snop  }
0x6: {  	_ = 	snop  }
0x7: {  	_ = 	snop  }
__scs_overlays_trampoline_lowered:
0x8: {  	[smem:$0x3FAC] =	sst s0  }
0x9: {  	[smem:$0x3FAD] =	sst s1  }
0xa: {  	[smem:$0x3FAE] =	sst s2  }
0xb: {  	[smem:$0x3FAF] =	sst s3  }
0xc: {  	[smem:$0x3FB0] =	sst s4  }
0xd: {  	[smem:$0x3FB1] =	sst s5  }
0xe: {  	[smem:$0x3FB2] =	sst s6  }
0xf: {  	[smem:$0x3FB3] =	sst s7  }
0x10: {  	[smem:$0x3FB4] =	sst s8  }
0x11: {  	[smem:$0x3FB5] =	sst s9;
	s0 =	simm.s32 @!p0 $0x0  }
0x12: {  	s1 =	sld [smem:$0x3F9B];
	s0 =	simm.s32 @p0 $0x1  }
0x13: {  	[smem:$0x3FB6] =	sst s0;
	s0 =	simm.s32 @!p1 $0x0  }
0x14: {  	s2 =	sld [smem:$0x3F9A];
	s0 =	simm.s32 @p1 $0x1  }
0x15: {  	[smem:$0x3FB7] =	sst s0;
	s0 =	simm.s32 @!p2 $0x0  }
0x16: {  	s3 =	sld [smem:$0x3FDB];
	s0 =	simm.s32 @p2 $0x1  }
0x17: {  	s4 =	simm.s32 $0x1BF5;
	[smem:$0x3FB9] =	sst s0  }
0x18: {  	s0 =	sld [smem:$0x3F9C];
	_ =	swait.ge [sflag:s4], $0x0  }
0x19: {  	s7 =	sld [smem:$0x3F9D]  }
0x1a: {  	s8 =	sadd.s32 $0xFFFFE003, lr  }
0x1b: {  	s9 =	sadd.s32 $0xFFFFFEF7, lr;
	s5 =	simm.s32 $0xFFFFFFFF;
	p2 =	slt.u32 s8, $0xFFFFF086  }
0x1c: {  	p1 =	slt.u32 s9, $0xF7A;
	s5 =	simm.s32 @!p2 $0x0  }
0x1d: {  	s5 =	simm.s32 @p1 $0x1;
	p0 =	seq.s32 s7, s2  }
0x1e: {  	s7 =	smul.u32 @!p0 $0xF7A, s2;
	p2 =	seq.s32 @!p0 s5, $0x0  }
0x1f: {  	s9 =	smul.u32 $0xF7A, s1;
	s8 =	simm.s32 @!p0 $0x1BF5;
	p2 =	por !p2, p0  }
0x20: {  	[sflag:s8] =	ssyncset.s32 @!p0 $0xFFFFF086;
	s6 =	sadd.s32 @!p0 s3, s7;
	s7 =	simm.s32 @!p0 $0x108  }
0x21: {  	s3 =	sadd.s32 s3, s9;
	s6 =	sadd.s32 @!p0 $0x88, s6;
	s7 =	simm.s32 @p2 $0x1082  }
0x22: {  	[simem:s7], [sflag:s8] =	dma.local @!p0 [hbm:s6], $0xF7A  }
0x23: {  	s9 =	sor.u32 $0xD0000000, s2;
	s6 =	simm.s32 $0x108;
	_ =	swait.ge @!p0 [sflag:s8], $0x0  }
0x24: {  	s3 =	sadd.s32 $0x88, s3;
	s6 =	simm.s32 @!p1 $0x1082;
	[sflag:s4] =	ssyncset.s32 $0xFFFFF086  }
0x25: {  	[simem:s6], [sflag:s4] =	dma.local [hbm:s3], $0xF7A  }
0x26: {  	[smem:$0x3F9D] =	sst s1;
	(tag) =	ssettag s2;
	_ =	strace s9  }
0x27: {  	s1 =	sld [smem:$0x3FAD]  }
0x28: {  	s2 =	sld [smem:$0x3FAE]  }
0x29: {  	s4 =	sld [smem:$0x3FB0]  }
0x2a: {  	p0 =	seq.s32 s5, $0x0;
	s5 =	sld [smem:$0x3FB1]  }
0x2b: {  	s6 =	sld [smem:$0x3FB2]  }
0x2c: {  	s7 =	sld [smem:$0x3FB3]  }
0x2d: {  	s3 =	simm.s32 $0x108;
	s8 =	sld [smem:$0x3FB4]  }
0x2e: {  	s3 =	simm.s32 @!p0 $0x1082;
	s9 =	sld [smem:$0x3FB5]  }
0x2f: {  	lr =	sadd.s32 s0, s3;
	s0 =	sld [smem:$0x3FAC]  }
0x30: {  	s3 =	sld [smem:$0x3FAF]  }
0x31: {  	[smem:$0x3FB8] =	sst s10  }
0x32: {  	s10 =	sld [smem:$0x3FB6];
	_ =	sdelay $0x3  }
0x33: {  	p0 =	seq.s32 s10, $0x1;
	s10 =	sld [smem:$0x3FB8];
	_ =	sdelay $0x3  }
0x34: {  	[smem:$0x3FB8] =	sst s10  }
0x35: {  	s10 =	sld [smem:$0x3FB7];
	_ =	sdelay $0x3  }
0x36: {  	p1 =	seq.s32 s10, $0x1;
	s10 =	sld [smem:$0x3FB8];
	_ =	sdelay $0x3  }
0x37: {  	[smem:$0x3FB8] =	sst s10  }
0x38: {  	s10 =	sld [smem:$0x3FB9]  }
0x39: {  	_ = 	snop;
	(pc) =	sbr.ind lr, $3  }
0x3a: {  	_ = 	snop  }
0x3b: {  	_ = 	snop  }
0x3c: {  	p2 =	seq.s32 s10, $0x1;
	s10 =	sld [smem:$0x3FB8]  }
0x3d: {  	_ =	shalt  }
0x3e: {  	_ =	shalt  }
0x3f: {  	_ =	shalt  }
0x40: {  	_ =	shalt  }
0x41: {  	_ =	shalt  }
0x42: {  	_ =	shalt  }
0x43: {  	_ =	shalt  }
0x44: {  	_ =	shalt  }
0x45: {  	_ =	shalt  }
0x46: {  	_ =	shalt  }
0x47: {  	_ =	shalt  }
0x48: {  	_ =	shalt  }
0x49: {  	_ =	shalt  }
0x4a: {  	_ =	shalt  }
0x4b: {  	_ =	shalt  }
0x4c: {  	_ =	shalt  }
0x4d: {  	_ =	shalt  }
0x4e: {  	_ =	shalt  }
0x4f: {  	_ =	shalt  }
0x50: {  	_ =	shalt  }
0x51: {  	_ =	shalt  }
0x52: {  	_ =	shalt  }
0x53: {  	_ =	shalt  }
0x54: {  	_ =	shalt  }
0x55: {  	_ =	shalt  }
0x56: {  	_ =	shalt  }
0x57: {  	_ =	shalt  }
0x58: {  	_ =	shalt  }
0x59: {  	_ =	shalt  }
0x5a: {  	_ =	shalt  }
0x5b: {  	_ =	shalt  }
0x5c: {  	_ =	shalt  }
0x5d: {  	_ =	shalt  }
0x5e: {  	_ =	shalt  }
0x5f: {  	_ =	shalt  }
0x60: {  	_ =	shalt  }
0x61: {  	_ =	shalt  }
0x62: {  	_ =	shalt  }
0x63: {  	_ =	shalt  }
0x64: {  	_ =	shalt  }
0x65: {  	_ =	shalt  }
0x66: {  	_ =	shalt  }
0x67: {  	_ =	shalt  }
0x68: {  	_ =	shalt  }
0x69: {  	_ =	shalt  }
0x6a: {  	_ =	shalt  }
0x6b: {  	_ =	shalt  }
0x6c: {  	_ =	shalt  }
0x6d: {  	_ =	shalt  }
0x6e: {  	_ =	shalt  }
0x6f: {  	_ =	shalt  }
0x70: {  	_ =	shalt  }
0x71: {  	_ =	shalt  }
0x72: {  	_ =	shalt  }
0x73: {  	_ =	shalt  }
0x74: {  	_ =	shalt  }
0x75: {  	_ =	shalt  }
0x76: {  	_ =	shalt  }
0x77: {  	_ =	shalt  }
0x78: {  	_ =	shalt  }
0x79: {  	_ =	shalt  }
0x7a: {  	_ =	shalt  }
0x7b: {  	_ =	shalt  }
0x7c: {  	_ =	shalt  }
0x7d: {  	_ =	shalt  }
0x7e: {  	_ =	shalt  }
0x7f: {  	_ =	shalt  }
0x80: {  	_ =	shalt  }
0x81: {  	_ =	shalt  }
0x82: {  	_ =	shalt  }
0x83: {  	_ =	shalt  }
0x84: {  	_ =	shalt  }
0x85: {  	_ =	shalt  }
0x86: {  	_ =	shalt  }
0x87: {  	_ =	shalt  }
.Lfunc_end0:
.L_simem_size_0:
called_computation_lowered:
.L_overlay_start_0:
0x88: {  	s2 =	sld [smem:$0x3FD9]  }
0x89: {  	s3 =	sld [smem:$0x3FFE];
	_ =	sdelay $0x1  }
0x8a: {  	s1 =	srdreg.scid  }
0x8b: {  	s0 =	sand.u32 $0x1, s1  }
0x8c: {  	s17 =	sshll.u32 s0, $0xA;
	s2 =	sadd.s32 s3, s2  }
0x8d: {  	s2 =	sadd.s32 s2, s17  }
0x8e: {  	[smem:$0x3FC4] =	sst s2  }
0x8f: {  	_ = 	snop  }
0x90: {  	s2 =	sld [smem:$0x3FD0];
	(tm) =	ssettm $0x1  }
0x91: {  	s18 =	sld [smem:$0x3FFB];
	_ =	sdelay $0x3  }
0x92: {  	_ =	strace s18  }
0x93: {  	s3 =	sld [smem:$0x3FFC];
	_ =	sdelay $0x3  }
0x94: {  	_ =	strace s3  }
0x95: {  	s3 =	sld [smem:$0x3FFD];
	_ =	sdelay $0x3  }
0x96: {  	_ =	strace s3  }
0x97: {  	_ =	strace $0x8FFFFFFF  }
0x98: {  	s19 =	sld [smem:$0x3FDB];
	_ =	sdelay $0x1  }
0x99: {  	s4 =	simm.s32 $_scs_section_size  }
0x9a: {  	s5 =	simm.s32 $_size__tile_overlayer_lowered;
	s6 =	simm.s32 $_tile_overlayer_lowered  }
0x9b: {  	s22 =	simm.s32 $0x1BFF;
	s21 =	sshll.u32 s6, $0x1;
	s3 =	sadd.s32 s4, s19  }
0x9c: {  	s7 =	simm.s32 $0x0;
	s20 =	sshll.u32 s5, $0x1;
	s5 =	sadd.s32 s21, s3  }
0x9d: {  	[timem:s7], [sflag:s22] =	dma.local [hbm:s5], s20  }
0x9e: {  	_ =	swait.ge [sflag:s22], s20  }
0x9f: {  	s4 =	ssub.s32 $0x0, s20;
	[sflag:s22] =	ssyncset.done $0x0  }
0xa0: {  	[sflag:s22] =	ssyncadd.s32 s4;
	_ =	sdelay $0x1  }
0xa1: {  	s23 =	simm.s32 $0x1B8B  }
0xa2: {  	_ =	swait.ge [sflag:s23], $0x1  }
0xa3: {  	[sflag:s23] =	ssyncset.done $0x0  }
0xa4: {  	s25 =	simm.s32 $0x1B8E;
	s24 =	sld [smem:$0x3FFE];
	[sflag:s23] =	ssyncadd.s32 $0xFFFFFFFF  }
0xa5: {  	s26 =	simm.s32 $execute0_lowered;
	[smem:$0x3FD2] =	sst s25  }
0xa6: {  	s5 =	sshll.u32 s26, $0x1;
	_ =	strace $0x80000046;
	[dreg:$0x1] =	wrdreg $0xFFFFFFFF  }
0xa7: {  	s28 =	simm.s32 $_size_execute0_lowered;
	s3 =	sadd.s32 s3, s5;
	[dreg:$0x0] =	wrdreg $0x0  }
0xa8: {  	s5 =	sshll.u32 s28, $0x1;
	[dreg:$0x2] =	wrdreg s3  }
0xa9: {  	[dreg:$0x3] =	wrdreg s5  }
0xaa: {  	[dreg:$0x4] =	wrdreg $0xC0  }
0xab: {  	_ =	task [dreg:s7], $0x5FFFF  }
0xac: {  	[dreg:$0x1] =	wrdreg $0xFFFFFFFF  }
0xad: {  	[dreg:$0x0] =	wrdreg $0x60  }
0xae: {  	[dreg:$0x2] =	wrdreg s2  }
0xaf: {  	[dreg:$0x3] =	wrdreg s24  }
0xb0: {  	[dreg:$0x4] =	wrdreg $0x9  }
0xb1: {  	_ =	task.clear_ibuf [dreg:s7], $0x5FFFF;
	_ =	strace $0x90000046  }
0xb2: {  	s29 =	simm.s32 $0x9;
	_ =	strace $0x80000048  }
0xb3: {  	_ =	swait.ge [sflag:s29], $0x1  }
0xb4: {  	[sflag:s29] =	ssyncadd.s32 $0xFFFFFFFF  }
0xb5: {  	_ =	strace $0x90000048  }
0xb6: {  	_ =	sfence  }
0xb7: {  	s30 =	sld [smem:$0x0];
	_ =	sdelay $0x2  }
0xb8: {  	s31 =	sshll.u32 s1, $0xD;
	s1 =	sshrl.u32 s1, $0x2  }
0xb9: {  	s3 =	sand.u32 $0x4000, s31;
	s1 =	sadd.s32 s1, s30  }
0xba: {  	s0 =	sor.u32 s3, s0;
	s1 =	sshll.u32 s1, $0x11  }
0xbb: {  	s0 =	sor.u32 s1, s0  }
0xbc: {  	s0 =	sadd.s32 $0x8F2B, s0  }
0xbd: {  	[sflag:s0] =	ssyncadd.remote.s32 $0x1  }
0xbe: {  	_ =	sfence.sel $0xFFFF  }
0xbf: {  	[dreg:$0x0] =	wrdreg $0xFFFFFFFF;
	(pc) =	sbr.abs _section_cstart, $3  }
0xc0: {  	[dreg:$0x1] =	wrdreg $0xFFFFFFFF  }
0xc1: {  	_ =	task.clear_ibuf [dreg:s7], $0x2FFFF;
	_ =	strace $0x9FFFFFFF  }
0xc2: {  	(tm) =	ssettm $0x7FFFFFFF  }
0xc3: {  	_ =	shalt  }
tec
execute0_lowered:
.L_overlay_start_1:
0x0: {  	(tag) =	ssettag $0x1  }
0x1: {  	s1 =	srdreg.scid  }
0x2: {  	s0 =	stileid.u32;
	s4 =	rddreg [dreg:$0x0]  }
0x3: {  	s6 =	rddreg [dreg:$0x1];
	s3 =	sand.u32 $0x1, s1;
	s29 =	sshll.u32 s0, $0x1  }
0x4: {  	s2 =	simm.s32 $0x0;
	s30 =	sshrl.u32 s0, $0x2;
	s5 =	sor.u32 s3, s29  }
0x5: {  	s9 =	simm.s32 $0x400;
	s7 =	smul.u32 $0x14000, s30;
	s8 =	sshll.u32 s5, $0x7  }
0x6: {  	s10 =	simm.s32 $0x0;
	s1 =	rddreg [dreg:$0x2];
	s8 =	sand.u32 $0x380, s8  }
0x7: {  	[smem:$0x7FF] =	sst s2;
	s3 =	ssub.s32 $0x2, s3;
	s7 =	sor.u32 s7, s8  }
0x8: {  	_ =	strace $0x80000047;
	s5 =	smul.u32 $0x1400, s5;
	s7 =	sshrl.u32 s7, $0x3  }
0x9: {  	s31 =	sshrl.u32 s3, $0x1;
	s8 =	simm.s32 $0x80;
	s6 =	sadd.s32 s7, s6  }
0xa: {  	s7 =	ssub.s32 s3, s31;
	s3 =	sadd.s32 s4, s5;
	s4 =	sadd.s32 $0xBC00, s6  }
0xb: {  	v0 =	vimm.f32 $0.0e+00;
	v1 =	vimm.f32 $1.000000000e+00;
	s5 =	smax.u32 s7, $0x1;
	s6 =	simm.s32 $0x1;
	s7 =	simm.s32 $0xA000  }
.LBB2_1:
0xc: {  	[tilespmem:s2], [sflag:$0x1] =	stream.linear.gather [hbm4b:s3+s2], $0xA000, $0x38;
	[tilespmem:$0xC800] =	vst v63  }
0xd: {  	_ =	swait.ge [sflag:s6], $0xA000  }
0xe: {  	[sflag:s6] =	ssyncset.done $0x0  }
0xf: {  	s11 =	simm.s32 $0x0;
	[sflag:s6] =	ssyncadd.s32 $0xFFFF6000  }
.LBB2_2:
0x10: {  	p0 =	sne.s32 s11, $0x9FC0  }
.Ltmp0:
0x11: {  	_ = 	snop;
	(pc) =	sbr.rel @p0 .LBB2_2-.Ltmp0, $3  }
0x12: {  	_ =	sdelay $0x1  }
0x13: {  	s12 =	sshra.s32 s11, $0x2  }
0x14: {  	s11 =	sadd.s32 $0x40, s11;
	[tilespmem:s12+$0xA000] =	vst v0  }
0x15: {  	s12 =	simm.s32 $0x0;
	s11 =	simm.s32 $0x200  }
.LBB2_4:
0x16: {  	p0 =	sne.s32 s11, $0x27E00;
	v2 =	vld [tilespmem:s12+$0x0];
	_ =	sdelay $0x3  }
.Ltmp1:
0x17: {  	(pc) =	sbr.rel @p0 .LBB2_4-.Ltmp1, $2  }
0x18: {  	_ =	sdelay $0x2  }
0x19: {  	s12 =	sshra.s32 s11, $0x2;
	s11 =	sadd.s32 $0x200, s11;
	[tilespmem:v2+s7+$0x0] =	vst.idx.add.f32.msk $0xffff, v1  }
0x1a: {  	v2 =	vld [tilespmem:s12+$0x0];
	_ =	sdelay $0x5  }
0x1b: {  	s10 =	sadd.s32 $0x1, s10  }
0x1c: {  	p0 =	sne.s32 s10, s5  }
.Ltmp2:
0x1d: {  	[tilespmem:v2+s7+$0x0] =	vst.idx.add.f32.msk $0xffff, v1;
	(pc) =	sbr.rel @p0 .LBB2_1-.Ltmp2, $4  }
0x1e: {  	[hbm4b:s4+s8] =	stream.strided.scatter [tilespmem:s7], [sflag:$0x1], $0x2800, s9, s8, $0x38;
	[tilespmem:$0xC800] =	vst v63  }
0x1f: {  	_ =	swait.ge [sflag:s6], $0x2800  }
0x20: {  	[sflag:s6] =	ssyncset.done $0x0  }
0x21: {  	[sflag:s6] =	ssyncadd.s32 $0xFFFFD800  }
0x22: {  	_ =	sfence.sel $0x180000  }
0x23: {  	[bflag:$0x0] =	sbarrier.arrive $0xFFFF  }
0x24: {  	p0 =	sne.s32 s0, $0x0;
	_ =	strace $0x90000047  }
0x25: {  	s0 =	sadd.s32 @!p0 $0x100000, s1;
	[bflag:$0x2] =	sbarrier.arrive $0xFFFF  }
0x26: {  	[sflag:s0] =	ssyncadd.tile.s32 @!p0 $0x1;
	_ =	shalt  }
.Lfunc_end2:
_tile_overlayer_lowered:
.L_overlay_start_2:
0x27: {  	(tag) =	ssettag $0x2  }
0x28: {  	s0 =	rddreg [dreg:$0x0];
	s2 =	stileid.u32  }
0x29: {  	s1 =	rddreg [dreg:$0x1];
	p0 =	sne.s32 s2, $0x0  }
0x2a: {  	s3 =	rddreg [dreg:$0x2];
	[bflag:$0x3] =	sbarrier.arrive $0xFFFF;
	s2 =	simm.s32 @!p0 $0x1C01  }
0x2b: {  	[timem:s3], [sflag:s2] =	dma.local @!p0 [hbm:s0], s1  }
0x2c: {  	s0 =	simm.s32 @!p0 $0x1  }
0x2d: {  	_ =	swait.ge @!p0 [sflag:s0], s1  }
0x2e: {  	s1 =	ssub.s32 @!p0 $0x0, s1;
	[sflag:s0] =	ssyncset.done @!p0 $0x0  }
0x2f: {  	[sflag:s0] =	ssyncadd.s32 @!p0 s1  }
0x30: {  	[bflag:$0x3] =	sbarrier.arrive $0xFFFF  }
0x31: {  	_ =	shalt  }

// kernel: kernel.9.cloned.1.call-start
scs
__scs_entry_jumppad:
0x0: {  	(pc) =	sbr.rel $0x88, $3  }
0x1: {  	(tag) =	ssettag $0x0;
	lr =	simm.s32 $0x1  }
0x2: {  	[smem:$0x3F9D] =	sst lr;
	_ =	strace $0xD0000000  }
0x3: {  	_ = 	snop  }
0x4: {  	_ = 	snop  }
0x5: {  	_ = 	snop  }
0x6: {  	_ = 	snop  }
0x7: {  	_ = 	snop  }
__scs_overlays_trampoline_lowered:
0x8: {  	[smem:$0x3FAC] =	sst s0  }
0x9: {  	[smem:$0x3FAD] =	sst s1  }
0xa: {  	[smem:$0x3FAE] =	sst s2  }
0xb: {  	[smem:$0x3FAF] =	sst s3  }
0xc: {  	[smem:$0x3FB0] =	sst s4  }
0xd: {  	[smem:$0x3FB1] =	sst s5  }
0xe: {  	[smem:$0x3FB2] =	sst s6  }
0xf: {  	[smem:$0x3FB3] =	sst s7  }
0x10: {  	[smem:$0x3FB4] =	sst s8  }
0x11: {  	[smem:$0x3FB5] =	sst s9;
	s0 =	simm.s32 @!p0 $0x0  }
0x12: {  	s1 =	sld [smem:$0x3F9B];
	s0 =	simm.s32 @p0 $0x1  }
0x13: {  	[smem:$0x3FB6] =	sst s0;
	s0 =	simm.s32 @!p1 $0x0  }
0x14: {  	s2 =	sld [smem:$0x3F9A];
	s0 =	simm.s32 @p1 $0x1  }
0x15: {  	[smem:$0x3FB7] =	sst s0;
	s0 =	simm.s32 @!p2 $0x0  }
0x16: {  	s3 =	sld [smem:$0x3FDB];
	s0 =	simm.s32 @p2 $0x1  }
0x17: {  	s4 =	simm.s32 $0x1BF5;
	[smem:$0x3FB9] =	sst s0  }
0x18: {  	s0 =	sld [smem:$0x3F9C];
	_ =	swait.ge [sflag:s4], $0x0  }
0x19: {  	s7 =	sld [smem:$0x3F9D]  }
0x1a: {  	s8 =	sadd.s32 $0xFFFFE003, lr  }
0x1b: {  	s9 =	sadd.s32 $0xFFFFFEF7, lr;
	s5 =	simm.s32 $0xFFFFFFFF;
	p2 =	slt.u32 s8, $0xFFFFF086  }
0x1c: {  	p1 =	slt.u32 s9, $0xF7A;
	s5 =	simm.s32 @!p2 $0x0  }
0x1d: {  	s5 =	simm.s32 @p1 $0x1;
	p0 =	seq.s32 s7, s2  }
0x1e: {  	s7 =	smul.u32 @!p0 $0xF7A, s2;
	p2 =	seq.s32 @!p0 s5, $0x0  }
0x1f: {  	s9 =	smul.u32 $0xF7A, s1;
	s8 =	simm.s32 @!p0 $0x1BF5;
	p2 =	por !p2, p0  }
0x20: {  	[sflag:s8] =	ssyncset.s32 @!p0 $0xFFFFF086;
	s6 =	sadd.s32 @!p0 s3, s7;
	s7 =	simm.s32 @!p0 $0x108  }
0x21: {  	s3 =	sadd.s32 s3, s9;
	s6 =	sadd.s32 @!p0 $0x88, s6;
	s7 =	simm.s32 @p2 $0x1082  }
0x22: {  	[simem:s7], [sflag:s8] =	dma.local @!p0 [hbm:s6], $0xF7A  }
0x23: {  	s9 =	sor.u32 $0xD0000000, s2;
	s6 =	simm.s32 $0x108;
	_ =	swait.ge @!p0 [sflag:s8], $0x0  }
0x24: {  	s3 =	sadd.s32 $0x88, s3;
	s6 =	simm.s32 @!p1 $0x1082;
	[sflag:s4] =	ssyncset.s32 $0xFFFFF086  }
0x25: {  	[simem:s6], [sflag:s4] =	dma.local [hbm:s3], $0xF7A  }
0x26: {  	[smem:$0x3F9D] =	sst s1;
	(tag) =	ssettag s2;
	_ =	strace s9  }
0x27: {  	s1 =	sld [smem:$0x3FAD]  }
0x28: {  	s2 =	sld [smem:$0x3FAE]  }
0x29: {  	s4 =	sld [smem:$0x3FB0]  }
0x2a: {  	p0 =	seq.s32 s5, $0x0;
	s5 =	sld [smem:$0x3FB1]  }
0x2b: {  	s6 =	sld [smem:$0x3FB2]  }
0x2c: {  	s7 =	sld [smem:$0x3FB3]  }
0x2d: {  	s3 =	simm.s32 $0x108;
	s8 =	sld [smem:$0x3FB4]  }
0x2e: {  	s3 =	simm.s32 @!p0 $0x1082;
	s9 =	sld [smem:$0x3FB5]  }
0x2f: {  	lr =	sadd.s32 s0, s3;
	s0 =	sld [smem:$0x3FAC]  }
0x30: {  	s3 =	sld [smem:$0x3FAF]  }
0x31: {  	[smem:$0x3FB8] =	sst s10  }
0x32: {  	s10 =	sld [smem:$0x3FB6];
	_ =	sdelay $0x3  }
0x33: {  	p0 =	seq.s32 s10, $0x1;
	s10 =	sld [smem:$0x3FB8];
	_ =	sdelay $0x3  }
0x34: {  	[smem:$0x3FB8] =	sst s10  }
0x35: {  	s10 =	sld [smem:$0x3FB7];
	_ =	sdelay $0x3  }
0x36: {  	p1 =	seq.s32 s10, $0x1;
	s10 =	sld [smem:$0x3FB8];
	_ =	sdelay $0x3  }
0x37: {  	[smem:$0x3FB8] =	sst s10  }
0x38: {  	s10 =	sld [smem:$0x3FB9]  }
0x39: {  	_ = 	snop;
	(pc) =	sbr.ind lr, $3  }
0x3a: {  	_ = 	snop  }
0x3b: {  	_ = 	snop  }
0x3c: {  	p2 =	seq.s32 s10, $0x1;
	s10 =	sld [smem:$0x3FB8]  }
0x3d: {  	_ =	shalt  }
0x3e: {  	_ =	shalt  }
0x3f: {  	_ =	shalt  }
0x40: {  	_ =	shalt  }
0x41: {  	_ =	shalt  }
0x42: {  	_ =	shalt  }
0x43: {  	_ =	shalt  }
0x44: {  	_ =	shalt  }
0x45: {  	_ =	shalt  }
0x46: {  	_ =	shalt  }
0x47: {  	_ =	shalt  }
0x48: {  	_ =	shalt  }
0x49: {  	_ =	shalt  }
0x4a: {  	_ =	shalt  }
0x4b: {  	_ =	shalt  }
0x4c: {  	_ =	shalt  }
0x4d: {  	_ =	shalt  }
0x4e: {  	_ =	shalt  }
0x4f: {  	_ =	shalt  }
0x50: {  	_ =	shalt  }
0x51: {  	_ =	shalt  }
0x52: {  	_ =	shalt  }
0x53: {  	_ =	shalt  }
0x54: {  	_ =	shalt  }
0x55: {  	_ =	shalt  }
0x56: {  	_ =	shalt  }
0x57: {  	_ =	shalt  }
0x58: {  	_ =	shalt  }
0x59: {  	_ =	shalt  }
0x5a: {  	_ =	shalt  }
0x5b: {  	_ =	shalt  }
0x5c: {  	_ =	shalt  }
0x5d: {  	_ =	shalt  }
0x5e: {  	_ =	shalt  }
0x5f: {  	_ =	shalt  }
0x60: {  	_ =	shalt  }
0x61: {  	_ =	shalt  }
0x62: {  	_ =	shalt  }
0x63: {  	_ =	shalt  }
0x64: {  	_ =	shalt  }
0x65: {  	_ =	shalt  }
0x66: {  	_ =	shalt  }
0x67: {  	_ =	shalt  }
0x68: {  	_ =	shalt  }
0x69: {  	_ =	shalt  }
0x6a: {  	_ =	shalt  }
0x6b: {  	_ =	shalt  }
0x6c: {  	_ =	shalt  }
0x6d: {  	_ =	shalt  }
0x6e: {  	_ =	shalt  }
0x6f: {  	_ =	shalt  }
0x70: {  	_ =	shalt  }
0x71: {  	_ =	shalt  }
0x72: {  	_ =	shalt  }
0x73: {  	_ =	shalt  }
0x74: {  	_ =	shalt  }
0x75: {  	_ =	shalt  }
0x76: {  	_ =	shalt  }
0x77: {  	_ =	shalt  }
0x78: {  	_ =	shalt  }
0x79: {  	_ =	shalt  }
0x7a: {  	_ =	shalt  }
0x7b: {  	_ =	shalt  }
0x7c: {  	_ =	shalt  }
0x7d: {  	_ =	shalt  }
0x7e: {  	_ =	shalt  }
0x7f: {  	_ =	shalt  }
0x80: {  	_ =	shalt  }
0x81: {  	_ =	shalt  }
0x82: {  	_ =	shalt  }
0x83: {  	_ =	shalt  }
0x84: {  	_ =	shalt  }
0x85: {  	_ =	shalt  }
0x86: {  	_ =	shalt  }
0x87: {  	_ =	shalt  }
.Lfunc_end0:
.L_simem_size_0:
called_computation.1_lowered:
.L_overlay_start_0:
0x88: {  	s2 =	sld [smem:$0x3FD9]  }
0x89: {  	s3 =	sld [smem:$0x3FFE];
	_ =	sdelay $0x1  }
0x8a: {  	s1 =	srdreg.scid  }
0x8b: {  	s0 =	sand.u32 $0x1, s1  }
0x8c: {  	s16 =	sshll.u32 s0, $0xA;
	s2 =	sadd.s32 s3, s2  }
0x8d: {  	s2 =	sadd.s32 s2, s16  }
0x8e: {  	[smem:$0x3FC4] =	sst s2  }
0x8f: {  	_ = 	snop  }
0x90: {  	(tm) =	ssettm $0x1  }
0x91: {  	s17 =	sld [smem:$0x3FFB];
	_ =	sdelay $0x3  }
0x92: {  	_ =	strace s17  }
0x93: {  	s2 =	sld [smem:$0x3FFC];
	_ =	sdelay $0x3  }
0x94: {  	_ =	strace s2  }
0x95: {  	s2 =	sld [smem:$0x3FFD];
	_ =	sdelay $0x3  }
0x96: {  	_ =	strace s2  }
0x97: {  	_ =	strace $0x8FFFFFFF  }
0x98: {  	s18 =	sld [smem:$0x3FDB];
	_ =	sdelay $0x1  }
0x99: {  	s19 =	simm.s32 $_scs_section_size  }
0x9a: {  	s4 =	simm.s32 $_size__tile_overlayer_lowered;
	s5 =	simm.s32 $_tile_overlayer_lowered  }
0x9b: {  	s22 =	simm.s32 $0x1BFF;
	s21 =	sshll.u32 s5, $0x1;
	s2 =	sadd.s32 s19, s18  }
0x9c: {  	s6 =	simm.s32 $0x0;
	s20 =	sshll.u32 s4, $0x1;
	s4 =	sadd.s32 s21, s2  }
0x9d: {  	[timem:s6], [sflag:s22] =	dma.local [hbm:s4], s20  }
0x9e: {  	_ =	swait.ge [sflag:s22], s20  }
0x9f: {  	s3 =	ssub.s32 $0x0, s20;
	[sflag:s22] =	ssyncset.done $0x0  }
0xa0: {  	[sflag:s22] =	ssyncadd.s32 s3;
	_ =	sdelay $0x1  }
0xa1: {  	s23 =	simm.s32 $0x1B8B  }
0xa2: {  	_ =	swait.ge [sflag:s23], $0x1  }
0xa3: {  	[sflag:s23] =	ssyncset.done $0x0  }
0xa4: {  	s25 =	simm.s32 $0x1B8E;
	s24 =	sld [smem:$0x3FFE];
	[sflag:s23] =	ssyncadd.s32 $0xFFFFFFFF  }
0xa5: {  	s26 =	simm.s32 $execute0_lowered;
	[smem:$0x3FD2] =	sst s25  }
0xa6: {  	s4 =	sshll.u32 s26, $0x1;
	_ =	strace $0x80000049;
	[dreg:$0x1] =	wrdreg $0xFFFFFFFF  }
0xa7: {  	s28 =	simm.s32 $_size_execute0_lowered;
	s2 =	sadd.s32 s2, s4;
	[dreg:$0x0] =	wrdreg $0x0  }
0xa8: {  	s4 =	sshll.u32 s28, $0x1;
	[dreg:$0x2] =	wrdreg s2  }
0xa9: {  	[dreg:$0x3] =	wrdreg s4  }
0xaa: {  	[dreg:$0x4] =	wrdreg $0xC0  }
0xab: {  	_ =	task [dreg:s6], $0x5FFFF  }
0xac: {  	[dreg:$0x1] =	wrdreg $0xFFFFFFFF  }
0xad: {  	[dreg:$0x0] =	wrdreg $0x60  }
0xae: {  	[dreg:$0x2] =	wrdreg s24  }
0xaf: {  	[dreg:$0x3] =	wrdreg $0xAC000  }
0xb0: {  	[dreg:$0x4] =	wrdreg $0x9  }
0xb1: {  	_ =	task.clear_ibuf [dreg:s6], $0x5FFFF;
	_ =	strace $0x90000049  }
0xb2: {  	s29 =	simm.s32 $0x9;
	_ =	strace $0x8000004B  }
0xb3: {  	_ =	swait.ge [sflag:s29], $0x1  }
0xb4: {  	[sflag:s29] =	ssyncadd.s32 $0xFFFFFFFF  }
0xb5: {  	_ =	strace $0x9000004B  }
0xb6: {  	_ =	sfence  }
0xb7: {  	s30 =	sld [smem:$0x0];
	_ =	sdelay $0x2  }
0xb8: {  	s31 =	sshll.u32 s1, $0xD;
	s1 =	sshrl.u32 s1, $0x2  }
0xb9: {  	s3 =	sand.u32 $0x4000, s31;
	s1 =	sadd.s32 s1, s30  }
0xba: {  	s0 =	sor.u32 s3, s0;
	s1 =	sshll.u32 s1, $0x11  }
0xbb: {  	s0 =	sor.u32 s1, s0  }
0xbc: {  	s0 =	sadd.s32 $0x8F2B, s0  }
0xbd: {  	[sflag:s0] =	ssyncadd.remote.s32 $0x1  }
0xbe: {  	_ =	sfence.sel $0xFFFF  }
0xbf: {  	[dreg:$0x0] =	wrdreg $0xFFFFFFFF;
	(pc) =	sbr.abs _section_cstart, $3  }
0xc0: {  	[dreg:$0x1] =	wrdreg $0xFFFFFFFF  }
0xc1: {  	_ =	task.clear_ibuf [dreg:s6], $0x2FFFF;
	_ =	strace $0x9FFFFFFF  }
0xc2: {  	(tm) =	ssettm $0x7FFFFFFF  }
0xc3: {  	_ =	shalt  }
tec
execute0_lowered:
.L_overlay_start_1:
0x0: {  	(tag) =	ssettag $0x1  }
0x1: {  	s0 =	srdreg.scid;
	s1 =	rddreg [dreg:$0x0]  }
0x2: {  	s24 =	stileid.u32;
	s2 =	rddreg [dreg:$0x1];
	s3 =	simm.s32 $0x0  }
0x3: {  	s14 =	simm.s32 $0x2C00;
	s15 =	simm.s32 $0x3;
	s16 =	simm.s32 $0x2800  }
0x4: {  	s17 =	simm.s32 $0x80;
	s18 =	simm.s32 $0x2880;
	s6 =	smul.u32 $0x500, s24  }
0x5: {  	s19 =	simm.s32 $0x6C00;
	s20 =	simm.s32 $0x1;
	s7 =	smul.u32 $0x2800, s24  }
0x6: {  	s21 =	simm.s32 $0x2;
	s22 =	simm.s32 $0x2900;
	s25 =	smul.u32 $0x14000, s24  }
0x7: {  	s23 =	simm.s32 $0x2980;
	s4 =	sand.u32 $0x1, s0;
	s30 =	smul.u32 $0x50000, s24  }
0x8: {  	s28 =	simm.s32 $0x2B80;
	s29 =	simm.s32 $0x0;
	s5 =	smul.u32 $0x28000, s4  }
0x9: {  	[smem:$0x7FF] =	sst s3;
	s24 =	simm.s32 $0x2A00;
	s8 =	smul.u32 $0x140000, s4  }
0xa: {  	_ =	strace $0x8000004A;
	s4 =	ssub.s32 $0x2, s4;
	s13 =	sadd.s32 s6, s1  }
0xb: {  	s26 =	sshrl.u32 s7, $0x3;
	s31 =	sshrl.u32 s4, $0x1;
	s7 =	sshrl.u32 s30, $0x2  }
0xc: {  	s10 =	sadd.s32 s5, s1;
	s9 =	sadd.s32 s26, s1;
	s5 =	sadd.s32 s25, s8  }
0xd: {  	s12 =	ssub.s32 s4, s31;
	s4 =	sadd.s32 s7, s2;
	s13 =	sadd.s32 $0x1C00, s13  }
0xe: {  	s25 =	simm.s32 $0x2A80;
	s26 =	simm.s32 $0x2B00;
	s5 =	sshrl.u32 s5, $0x3  }
0xf: {  	s6 =	sadd.s32 $0x8000, s4;
	s7 =	sadd.s32 $0xC000, s4;
	s8 =	sadd.s32 $0x10000, s4  }
0x10: {  	s9 =	sadd.s32 $0x6C00, s9;
	s10 =	sadd.s32 $0xBC00, s10;
	s1 =	sadd.s32 s5, s1  }
0x11: {  	v0 =	vimm.f32 $0.0e+00;
	s12 =	smax.u32 s12, $0x1;
	s5 =	sadd.s32 $0x4000, s4;
	s11 =	sadd.s32 $0x5BC00, s1  }
.LBB2_1:
0x12: {  	s1 =	simm.s32 $0x0;
	s30 =	simm.s32 $0x200  }
.LBB2_2:
0x13: {  	p0 =	sne.s32 s30, $0xFE00;
	[tilespmem:s1+$0x2C70] =	vst v0  }
0x14: {  	[tilespmem:s1+$0x2C00] =	vst v0  }
0x15: {  	[tilespmem:s1+$0x2C10] =	vst v0  }
.Ltmp0:
0x16: {  	[tilespmem:s1+$0x2C20] =	vst v0;
	(pc) =	sbr.rel @p0 .LBB2_2-.Ltmp0, $4  }
0x17: {  	[tilespmem:s1+$0x2C30] =	vst v0  }
0x18: {  	[tilespmem:s1+$0x2C40] =	vst v0  }
0x19: {  	[tilespmem:s1+$0x2C50] =	vst v0  }
0x1a: {  	[tilespmem:s1+$0x2C60] =	vst v0;
	s1 =	sshra.s32 s30, $0x2;
	s30 =	sadd.s32 $0x200, s30  }
0x1b: {  	[tilespmem:s1+$0x2C70] =	vst v0  }
0x1c: {  	[tilespmem:s1+$0x2C00] =	vst v0  }
0x1d: {  	[tilespmem:s1+$0x2C10] =	vst v0  }
0x1e: {  	[tilespmem:s1+$0x2C20] =	vst v0  }
0x1f: {  	[tilespmem:s1+$0x2C30] =	vst v0  }
0x20: {  	[tilespmem:s1+$0x2C40] =	vst v0  }
0x21: {  	[tilespmem:s1+$0x2C50] =	vst v0  }
0x22: {  	[tilespmem:s1+$0x2C60] =	vst v0  }
0x23: {  	[spmem:s4] =	stream.linear.scatter [tilespmem:s14], [sflag:$0x3], $0x4000, $0x38;
	[tilespmem:$0x1EC00] =	vst v63  }
0x24: {  	_ =	swait.ge [sflag:s15], $0x4000  }
0x25: {  	[sflag:s15] =	ssyncset.done $0x0  }
0x26: {  	[sflag:s15] =	ssyncadd.s32 $0xFFFFC000  }
0x27: {  	[spmem:s5] =	stream.linear.scatter [tilespmem:s14], [sflag:$0x3], $0x4000, $0x38;
	[tilespmem:$0x1EC00] =	vst v63  }
0x28: {  	_ =	swait.ge [sflag:s15], $0x4000  }
0x29: {  	[sflag:s15] =	ssyncset.done $0x0  }
0x2a: {  	[sflag:s15] =	ssyncadd.s32 $0xFFFFC000  }
0x2b: {  	[spmem:s6] =	stream.linear.scatter [tilespmem:s14], [sflag:$0x3], $0x4000, $0x38;
	[tilespmem:$0x1EC00] =	vst v63  }
0x2c: {  	_ =	swait.ge [sflag:s15], $0x4000  }
0x2d: {  	[sflag:s15] =	ssyncset.done $0x0  }
0x2e: {  	[sflag:s15] =	ssyncadd.s32 $0xFFFFC000  }
0x2f: {  	[spmem:s7] =	stream.linear.scatter [tilespmem:s14], [sflag:$0x3], $0x4000, $0x38;
	[tilespmem:$0x1EC00] =	vst v63  }
0x30: {  	_ =	swait.ge [sflag:s15], $0x4000  }
0x31: {  	[sflag:s15] =	ssyncset.done $0x0  }
0x32: {  	[sflag:s15] =	ssyncadd.s32 $0xFFFFC000  }
0x33: {  	[spmem:s8] =	stream.linear.scatter [tilespmem:s14], [sflag:$0x3], $0x4000, $0x38;
	[tilespmem:$0x1EC00] =	vst v63  }
0x34: {  	_ =	swait.ge [sflag:s15], $0x4000  }
0x35: {  	[sflag:s15] =	ssyncset.done $0x0  }
0x36: {  	s0 =	simm.s32 $0x0;
	[sflag:s15] =	ssyncadd.s32 $0xFFFFC000  }
0x37: {  	[tilespmem:s0], [sflag:$0x3] =	stream.linear.gather [hbm4b:s9+s0], $0x2800, $0x38;
	[tilespmem:$0x1EC00] =	vst v63  }
0x38: {  	_ =	swait.ge [sflag:s15], $0x2800  }
0x39: {  	[sflag:s15] =	ssyncset.done $0x0  }
0x3a: {  	[sflag:s15] =	ssyncadd.s32 $0xFFFFD800  }
0x3b: {  	[bflag:$0x0] =	sbarrier.arrive $0xFFFF  }
0x3c: {  	[tilespmem:s16], [sflag:$0x3] =	stream.linear.gather [hbm4b:s13+s3], $0x400, $0x38;
	[tilespmem:$0x1EC00] =	vst v63  }
0x3d: {  	_ =	swait.ge [sflag:s15], $0x400  }
0x3e: {  	[sflag:s15] =	ssyncset.done $0x0  }
0x3f: {  	[sflag:s15] =	ssyncadd.s32 $0xFFFFFC00  }
0x40: {  	[tilespmem:s14], [sflag:$0x1] =	stream.indirect.gather [hbm4b:s10+s17], $0x80, s16, s17, $0xb8;
	[tilespmem:$0x1EC00] =	vst v63  }
0x41: {  	_ = 	snop  }
0x42: {  	[tilespmem:s19], [sflag:$0x2] =	stream.indirect.gather [hbm4b:s10+s17], $0x80, s18, s17, $0xb8;
	[tilespmem:$0x1EC00] =	vst v63  }
0x43: {  	_ =	swait.ge [sflag:s20], $0x4000  }
0x44: {  	[sflag:s20] =	ssyncset.done $0x0  }
0x45: {  	s0 =	simm.s32 $0x0;
	[sflag:s20] =	ssyncadd.s32 $0xFFFFC000  }
0x46: {  	[spmem:s2] =	stream.indirect.scatter.add.f32 [tilespmem:s14], [sflag:$0x3], $0x80, s0, s17, $0xb8;
	[tilespmem:$0x1EC00] =	vst v63  }
0x47: {  	_ =	swait.ge [sflag:s15], $0x4000  }
0x48: {  	[sflag:s15] =	ssyncset.done $0x0  }
0x49: {  	[sflag:s15] =	ssyncadd.s32 $0xFFFFC000  }
0x4a: {  	_ =	swait.ge [sflag:s21], $0x4000  }
0x4b: {  	[sflag:s21] =	ssyncset.done $0x0  }
0x4c: {  	s0 =	simm.s32 $0x80;
	[sflag:s21] =	ssyncadd.s32 $0xFFFFC000  }
0x4d: {  	[spmem:s2] =	stream.indirect.scatter.add.f32 [tilespmem:s19], [sflag:$0x3], $0x80, s0, s17, $0xb8;
	[tilespmem:$0x1EC00] =	vst v63  }
0x4e: {  	_ =	swait.ge [sflag:s15], $0x4000  }
0x4f: {  	[sflag:s15] =	ssyncset.done $0x0  }
0x50: {  	[sflag:s15] =	ssyncadd.s32 $0xFFFFC000  }
0x51: {  	[tilespmem:s14], [sflag:$0x1] =	stream.indirect.gather [hbm4b:s10+s17], $0x80, s22, s17, $0xb8;
	[tilespmem:$0x1EC00] =	vst v63  }
0x52: {  	_ = 	snop  }
0x53: {  	[tilespmem:s19], [sflag:$0x2] =	stream.indirect.gather [hbm4b:s10+s17], $0x80, s23, s17, $0xb8;
	[tilespmem:$0x1EC00] =	vst v63  }
0x54: {  	_ =	swait.ge [sflag:s20], $0x4000  }
0x55: {  	[sflag:s20] =	ssyncset.done $0x0  }
0x56: {  	s0 =	simm.s32 $0x100;
	[sflag:s20] =	ssyncadd.s32 $0xFFFFC000  }
0x57: {  	[spmem:s2] =	stream.indirect.scatter.add.f32 [tilespmem:s14], [sflag:$0x3], $0x80, s0, s17, $0xb8;
	[tilespmem:$0x1EC00] =	vst v63  }
0x58: {  	_ =	swait.ge [sflag:s15], $0x4000  }
0x59: {  	[sflag:s15] =	ssyncset.done $0x0  }
0x5a: {  	[sflag:s15] =	ssyncadd.s32 $0xFFFFC000  }
0x5b: {  	_ =	swait.ge [sflag:s21], $0x4000  }
0x5c: {  	[sflag:s21] =	ssyncset.done $0x0  }
0x5d: {  	s0 =	simm.s32 $0x180;
	[sflag:s21] =	ssyncadd.s32 $0xFFFFC000  }
0x5e: {  	[spmem:s2] =	stream.indirect.scatter.add.f32 [tilespmem:s19], [sflag:$0x3], $0x80, s0, s17, $0xb8;
	[tilespmem:$0x1EC00] =	vst v63  }
0x5f: {  	_ =	swait.ge [sflag:s15], $0x4000  }
0x60: {  	[sflag:s15] =	ssyncset.done $0x0  }
0x61: {  	[sflag:s15] =	ssyncadd.s32 $0xFFFFC000  }
0x62: {  	[tilespmem:s14], [sflag:$0x1] =	stream.indirect.gather [hbm4b:s10+s17], $0x80, s24, s17, $0xb8;
	[tilespmem:$0x1EC00] =	vst v63  }
0x63: {  	_ = 	snop  }
0x64: {  	[tilespmem:s19], [sflag:$0x2] =	stream.indirect.gather [hbm4b:s10+s17], $0x80, s25, s17, $0xb8;
	[tilespmem:$0x1EC00] =	vst v63  }
0x65: {  	_ =	swait.ge [sflag:s20], $0x4000  }
0x66: {  	[sflag:s20] =	ssyncset.done $0x0  }
0x67: {  	s0 =	simm.s32 $0x200;
	[sflag:s20] =	ssyncadd.s32 $0xFFFFC000  }
0x68: {  	[spmem:s2] =	stream.indirect.scatter.add.f32 [tilespmem:s14], [sflag:$0x3], $0x80, s0, s17, $0xb8;
	[tilespmem:$0x1EC00] =	vst v63  }
0x69: {  	_ =	swait.ge [sflag:s15], $0x4000  }
0x6a: {  	[sflag:s15] =	ssyncset.done $0x0  }
0x6b: {  	[sflag:s15] =	ssyncadd.s32 $0xFFFFC000  }
0x6c: {  	_ =	swait.ge [sflag:s21], $0x4000  }
0x6d: {  	[sflag:s21] =	ssyncset.done $0x0  }
0x6e: {  	s0 =	simm.s32 $0x280;
	[sflag:s21] =	ssyncadd.s32 $0xFFFFC000  }
0x6f: {  	[spmem:s2] =	stream.indirect.scatter.add.f32 [tilespmem:s19], [sflag:$0x3], $0x80, s0, s17, $0xb8;
	[tilespmem:$0x1EC00] =	vst v63  }
0x70: {  	_ =	swait.ge [sflag:s15], $0x4000  }
0x71: {  	[sflag:s15] =	ssyncset.done $0x0  }
0x72: {  	[sflag:s15] =	ssyncadd.s32 $0xFFFFC000  }
0x73: {  	[tilespmem:s14], [sflag:$0x1] =	stream.indirect.gather [hbm4b:s10+s17], $0x80, s26, s17, $0xb8;
	[tilespmem:$0x1EC00] =	vst v63  }
0x74: {  	_ = 	snop  }
0x75: {  	[tilespmem:s19], [sflag:$0x2] =	stream.indirect.gather [hbm4b:s10+s17], $0x80, s28, s17, $0xb8;
	[tilespmem:$0x1EC00] =	vst v63  }
0x76: {  	_ =	swait.ge [sflag:s20], $0x4000  }
0x77: {  	[sflag:s20] =	ssyncset.done $0x0  }
0x78: {  	s0 =	simm.s32 $0x300;
	[sflag:s20] =	ssyncadd.s32 $0xFFFFC000  }
0x79: {  	[spmem:s2] =	stream.indirect.scatter.add.f32 [tilespmem:s14], [sflag:$0x3], $0x80, s0, s17, $0xb8;
	[tilespmem:$0x1EC00] =	vst v63  }
0x7a: {  	_ =	swait.ge [sflag:s15], $0x4000  }
0x7b: {  	[sflag:s15] =	ssyncset.done $0x0  }
0x7c: {  	[sflag:s15] =	ssyncadd.s32 $0xFFFFC000  }
0x7d: {  	_ =	swait.ge [sflag:s21], $0x4000  }
0x7e: {  	[sflag:s21] =	ssyncset.done $0x0  }
0x7f: {  	s0 =	simm.s32 $0x380;
	[sflag:s21] =	ssyncadd.s32 $0xFFFFC000  }
0x80: {  	[spmem:s2] =	stream.indirect.scatter.add.f32 [tilespmem:s19], [sflag:$0x3], $0x80, s0, s17, $0xb8;
	[tilespmem:$0x1EC00] =	vst v63  }
0x81: {  	_ =	swait.ge [sflag:s15], $0x4000  }
0x82: {  	s30 =	simm.s32 $0x1000;
	s31 =	smov.u32 s13;
	[sflag:s15] =	ssyncset.done $0x0  }
.LBB2_4:
0x83: {  	p0 =	sne.s32 s30, $0x9000;
	[sflag:s15] =	ssyncadd.s32 $0xFFFFC000;
	s31 =	sadd.s32 $0x80, s31  }
0x84: {  	[tilespmem:s16], [sflag:$0x3] =	stream.linear.gather [hbm4b:s31+s3], $0x400, $0x38;
	[tilespmem:$0x1EC00] =	vst v63  }
0x85: {  	s1 =	smov.u32 s30;
	s30 =	sadd.s32 $0x1000, s30;
	_ =	swait.ge [sflag:s15], $0x400  }
0x86: {  	[sflag:s15] =	ssyncset.done $0x0  }
0x87: {  	[sflag:s15] =	ssyncadd.s32 $0xFFFFFC00  }
0x88: {  	[tilespmem:s14], [sflag:$0x1] =	stream.indirect.gather [hbm4b:s10+s17], $0x80, s16, s17, $0xb8;
	[tilespmem:$0x1EC00] =	vst v63  }
0x89: {  	_ = 	snop  }
0x8a: {  	[tilespmem:s19], [sflag:$0x2] =	stream.indirect.gather [hbm4b:s10+s17], $0x80, s18, s17, $0xb8;
	[tilespmem:$0x1EC00] =	vst v63  }
0x8b: {  	_ =	swait.ge [sflag:s20], $0x4000  }
0x8c: {  	[sflag:s20] =	ssyncset.done $0x0  }
0x8d: {  	s1 =	sshra.s32 s1, $0x2;
	[sflag:s20] =	ssyncadd.s32 $0xFFFFC000  }
0x8e: {  	[spmem:s2] =	stream.indirect.scatter.add.f32 [tilespmem:s14], [sflag:$0x3], $0x80, s1, s17, $0xb8;
	[tilespmem:$0x1EC00] =	vst v63  }
0x8f: {  	_ =	swait.ge [sflag:s15], $0x4000  }
0x90: {  	[sflag:s15] =	ssyncset.done $0x0  }
0x91: {  	[sflag:s15] =	ssyncadd.s32 $0xFFFFC000  }
0x92: {  	_ =	swait.ge [sflag:s21], $0x4000  }
0x93: {  	[sflag:s21] =	ssyncset.done $0x0  }
0x94: {  	s0 =	sadd.s32 $0x80, s1;
	[sflag:s21] =	ssyncadd.s32 $0xFFFFC000  }
0x95: {  	[spmem:s2] =	stream.indirect.scatter.add.f32 [tilespmem:s19], [sflag:$0x3], $0x80, s0, s17, $0xb8;
	[tilespmem:$0x1EC00] =	vst v63  }
0x96: {  	_ =	swait.ge [sflag:s15], $0x4000  }
0x97: {  	[sflag:s15] =	ssyncset.done $0x0  }
0x98: {  	[sflag:s15] =	ssyncadd.s32 $0xFFFFC000  }
0x99: {  	[tilespmem:s14], [sflag:$0x1] =	stream.indirect.gather [hbm4b:s10+s17], $0x80, s22, s17, $0xb8;
	[tilespmem:$0x1EC00] =	vst v63  }
0x9a: {  	_ = 	snop  }
0x9b: {  	[tilespmem:s19], [sflag:$0x2] =	stream.indirect.gather [hbm4b:s10+s17], $0x80, s23, s17, $0xb8;
	[tilespmem:$0x1EC00] =	vst v63  }
0x9c: {  	_ =	swait.ge [sflag:s20], $0x4000  }
0x9d: {  	[sflag:s20] =	ssyncset.done $0x0  }
0x9e: {  	s0 =	sadd.s32 $0x100, s1;
	[sflag:s20] =	ssyncadd.s32 $0xFFFFC000  }
0x9f: {  	[spmem:s2] =	stream.indirect.scatter.add.f32 [tilespmem:s14], [sflag:$0x3], $0x80, s0, s17, $0xb8;
	[tilespmem:$0x1EC00] =	vst v63  }
0xa0: {  	_ =	swait.ge [sflag:s15], $0x4000  }
0xa1: {  	[sflag:s15] =	ssyncset.done $0x0  }
0xa2: {  	[sflag:s15] =	ssyncadd.s32 $0xFFFFC000  }
0xa3: {  	_ =	swait.ge [sflag:s21], $0x4000  }
0xa4: {  	[sflag:s21] =	ssyncset.done $0x0  }
0xa5: {  	s0 =	sadd.s32 $0x180, s1;
	[sflag:s21] =	ssyncadd.s32 $0xFFFFC000  }
0xa6: {  	[spmem:s2] =	stream.indirect.scatter.add.f32 [tilespmem:s19], [sflag:$0x3], $0x80, s0, s17, $0xb8;
	[tilespmem:$0x1EC00] =	vst v63  }
0xa7: {  	_ =	swait.ge [sflag:s15], $0x4000  }
0xa8: {  	[sflag:s15] =	ssyncset.done $0x0  }
0xa9: {  	[sflag:s15] =	ssyncadd.s32 $0xFFFFC000  }
0xaa: {  	[tilespmem:s14], [sflag:$0x1] =	stream.indirect.gather [hbm4b:s10+s17], $0x80, s24, s17, $0xb8;
	[tilespmem:$0x1EC00] =	vst v63  }
0xab: {  	_ = 	snop  }
0xac: {  	[tilespmem:s19], [sflag:$0x2] =	stream.indirect.gather [hbm4b:s10+s17], $0x80, s25, s17, $0xb8;
	[tilespmem:$0x1EC00] =	vst v63  }
0xad: {  	_ =	swait.ge [sflag:s20], $0x4000  }
0xae: {  	[sflag:s20] =	ssyncset.done $0x0  }
0xaf: {  	s0 =	sadd.s32 $0x200, s1;
	[sflag:s20] =	ssyncadd.s32 $0xFFFFC000  }
0xb0: {  	[spmem:s2] =	stream.indirect.scatter.add.f32 [tilespmem:s14], [sflag:$0x3], $0x80, s0, s17, $0xb8;
	[tilespmem:$0x1EC00] =	vst v63  }
0xb1: {  	_ =	swait.ge [sflag:s15], $0x4000  }
0xb2: {  	[sflag:s15] =	ssyncset.done $0x0  }
0xb3: {  	[sflag:s15] =	ssyncadd.s32 $0xFFFFC000  }
0xb4: {  	_ =	swait.ge [sflag:s21], $0x4000  }
0xb5: {  	[sflag:s21] =	ssyncset.done $0x0  }
0xb6: {  	s0 =	sadd.s32 $0x280, s1;
	[sflag:s21] =	ssyncadd.s32 $0xFFFFC000  }
0xb7: {  	[spmem:s2] =	stream.indirect.scatter.add.f32 [tilespmem:s19], [sflag:$0x3], $0x80, s0, s17, $0xb8;
	[tilespmem:$0x1EC00] =	vst v63  }
0xb8: {  	_ =	swait.ge [sflag:s15], $0x4000  }
0xb9: {  	[sflag:s15] =	ssyncset.done $0x0  }
0xba: {  	[sflag:s15] =	ssyncadd.s32 $0xFFFFC000  }
0xbb: {  	[tilespmem:s14], [sflag:$0x1] =	stream.indirect.gather [hbm4b:s10+s17], $0x80, s26, s17, $0xb8;
	[tilespmem:$0x1EC00] =	vst v63  }
0xbc: {  	_ = 	snop  }
0xbd: {  	[tilespmem:s19], [sflag:$0x2] =	stream.indirect.gather [hbm4b:s10+s17], $0x80, s28, s17, $0xb8;
	[tilespmem:$0x1EC00] =	vst v63  }
0xbe: {  	_ =	swait.ge [sflag:s20], $0x4000  }
0xbf: {  	[sflag:s20] =	ssyncset.done $0x0  }
0xc0: {  	s0 =	sadd.s32 $0x300, s1;
	[sflag:s20] =	ssyncadd.s32 $0xFFFFC000  }
0xc1: {  	[spmem:s2] =	stream.indirect.scatter.add.f32 [tilespmem:s14], [sflag:$0x3], $0x80, s0, s17, $0xb8;
	[tilespmem:$0x1EC00] =	vst v63  }
0xc2: {  	_ =	swait.ge [sflag:s15], $0x4000  }
0xc3: {  	[sflag:s15] =	ssyncset.done $0x0  }
0xc4: {  	[sflag:s15] =	ssyncadd.s32 $0xFFFFC000  }
0xc5: {  	_ =	swait.ge [sflag:s21], $0x4000  }
.Ltmp1:
0xc6: {  	[sflag:s21] =	ssyncset.done $0x0;
	(pc) =	sbr.rel @p0 .LBB2_4-.Ltmp1, $4  }
0xc7: {  	s0 =	sadd.s32 $0x380, s1;
	[sflag:s21] =	ssyncadd.s32 $0xFFFFC000  }
0xc8: {  	[spmem:s2] =	stream.indirect.scatter.add.f32 [tilespmem:s19], [sflag:$0x3], $0x80, s0, s17, $0xb8;
	[tilespmem:$0x1EC00] =	vst v63  }
0xc9: {  	_ =	swait.ge [sflag:s15], $0x4000  }
0xca: {  	[sflag:s15] =	ssyncset.done $0x0  }
0xcb: {  	[sflag:s15] =	ssyncadd.s32 $0xFFFFC000;
	s0 =	stileid.u32;
	s29 =	sadd.s32 $0x1, s29  }
0xcc: {  	s1 =	sshrl.u32 s4, $0x3;
	s0 =	sshll.u32 s0, $0x6;
	p0 =	sne.s32 s29, s12  }
.Ltmp2:
0xcd: {  	[bflag:$0x0] =	sbarrier.arrive $0xFFFF;
	s0 =	sor.u32 $0x1C03, s0;
	(pc) =	sbr.rel @p0 .LBB2_1-.Ltmp2, $4  }
0xce: {  	[hbm:s11], [sflag:s0] =	dma.local [spmem:s1], $0x2800  }
0xcf: {  	_ =	swait.ge [sflag:s15], $0x2800  }
0xd0: {  	[sflag:s15] =	ssyncset.done $0x0  }
0xd1: {  	[sflag:s15] =	ssyncadd.s32 $0xFFFFD800  }
0xd2: {  	_ =	sfence.sel $0x180000  }
0xd3: {  	[bflag:$0x0] =	sbarrier.arrive $0xFFFF  }
0xd4: {  	_ =	strace $0x9000004A  }
0xd5: {  	s0 =	stileid.u32;
	[bflag:$0x2] =	sbarrier.arrive $0xFFFF  }
0xd6: {  	p0 =	sne.s32 s0, $0x0;
	s0 =	rddreg [dreg:$0x2]  }
0xd7: {  	s0 =	sadd.s32 @!p0 $0x100000, s0  }
0xd8: {  	[sflag:s0] =	ssyncadd.tile.s32 @!p0 $0x1;
	_ =	shalt  }
.Lfunc_end2:
_tile_overlayer_lowered:
.L_overlay_start_2:
0xd9: {  	(tag) =	ssettag $0x2  }
0xda: {  	s0 =	rddreg [dreg:$0x0];
	s2 =	stileid.u32  }
0xdb: {  	s1 =	rddreg [dreg:$0x1];
	p0 =	sne.s32 s2, $0x0  }
0xdc: {  	s3 =	rddreg [dreg:$0x2];
	[bflag:$0x3] =	sbarrier.arrive $0xFFFF;
	s2 =	simm.s32 @!p0 $0x1C03  }
0xdd: {  	[timem:s3], [sflag:s2] =	dma.local @!p0 [hbm:s0], s1  }
0xde: {  	s0 =	simm.s32 @!p0 $0x3  }
0xdf: {  	_ =	swait.ge @!p0 [sflag:s0], s1  }
0xe0: {  	s1 =	ssub.s32 @!p0 $0x0, s1;
	[sflag:s0] =	ssyncset.done @!p0 $0x0  }
0xe1: {  	[sflag:s0] =	ssyncadd.s32 @!p0 s1  }
0xe2: {  	[bflag:$0x3] =	sbarrier.arrive $0xFFFF  }
0xe3: {  	_ =	shalt  }

</sc_bundles>
